<compile_context>
chip_gen: v7x
topology: tpu7x:2x2x1
jax: 0.10.2.dev20260603
libtpu: 0.0.44.dev20260713+nightly
codegen_flags: <defaults>
</compile_context>

<pallas_src>
import functools

import jax
import jax.numpy as jnp
from jax import lax
from jax.experimental import pallas as pl
from jax.experimental.pallas import tpu as pltpu
from jax.experimental.pallas import tpu_sc as plsc

_V = 8192
_D = 8192
_B = 4096
_NW = 32
_R = 2
_NBUF = 6
_CPW = (_B // _NW) // _R

_mesh = plsc.VectorSubcoreMesh(core_axis_name="c", subcore_axis_name="s")


@functools.partial(
    pl.kernel,
    mesh=_mesh,
    out_type=jax.ShapeDtypeStruct((_B, _D), jnp.float32),
    scratch_types=[
        pltpu.VMEM((_CPW, _R), jnp.int32),
    ] + [pltpu.VMEM((_R, _D), jnp.float32)] * _NBUF
      + [pltpu.SemaphoreType.DMA] * (2 * _NBUF),
)
def _sc_gather(table_hbm, idx_hbm, out_hbm, idx_v, *bufs_and_sems):
    bufs = bufs_and_sems[:_NBUF]
    gsems = bufs_and_sems[_NBUF:2 * _NBUF]
    ssems = bufs_and_sems[2 * _NBUF:]
    wid = lax.axis_index("s") * 2 + lax.axis_index("c")
    pltpu.sync_copy(idx_hbm.at[wid], idx_v)
    rbase = wid * _CPW * _R

    def out_rows(c):
        return out_hbm.at[pl.ds(rbase + c * _R, _R)]

    for j in range(_NBUF):
        pltpu.async_copy(table_hbm.at[idx_v.at[j]], bufs[j], gsems[j])

    n_iter = -(-_CPW // _NBUF)

    def body(i, _):
        c0 = i * _NBUF
        for j in range(_NBUF):
            @pl.when(c0 + j < _CPW)
            def _(j=j):
                pltpu.make_async_copy(
                    table_hbm.at[idx_v.at[c0 + j]], bufs[j], gsems[j]).wait()
                pltpu.async_copy(bufs[j], out_rows(c0 + j), ssems[j])

        for j in range(_NBUF):
            @pl.when(c0 + j + _NBUF < _CPW)
            def _(j=j):
                pltpu.make_async_copy(
                    bufs[j], out_rows(c0 + j), ssems[j]).wait()
                pltpu.async_copy(
                    table_hbm.at[idx_v.at[c0 + _NBUF + j]], bufs[j], gsems[j])

        return 0

    lax.fori_loop(0, n_iter, body, 0)

    for c in range(max(_CPW - _NBUF, 0), _CPW):
        pltpu.make_async_copy(bufs[c % _NBUF], out_rows(c),
                              ssems[c % _NBUF]).wait()


def kernel(idx, table):
    idx3 = idx.reshape(_NW, _CPW, _R).astype(jnp.int32)
    out = _sc_gather(table, idx3)
    return out.reshape(idx.shape[0], idx.shape[1], _D)

# --- scband reference (transcript-rebuilt; emitter-appended) ---
"""Pipeline reference for scband-bigram-language-model-3650722202169 (READ-ONLY COPY).

The authoritative reference and input builder live on the scoring server;
editing this copy changes nothing except your own understanding.
"""

import jax, jax.numpy as jnp
import numpy as np

VOCAB = 8192

def setup_inputs(seed: int = 0) -> dict:
    key = jax.random.key(seed)
    k1, k2 = jax.random.split(key)
    idx = jax.random.randint(k1, (8, 512), 0, VOCAB, dtype=jnp.int64) if jax.config.jax_enable_x64 else jax.random.randint(k1, (8, 512), 0, VOCAB, dtype=jnp.int32)
    # embedding table: nn.Embedding default init is N(0,1)
    table = jax.random.normal(k2, (VOCAB, VOCAB), dtype=jnp.float32)
    return {"idx": idx, "table": table}

def reference(idx, table):
    # logits = token_embedding_table(idx)
    logits = jnp.take(table, idx, axis=0)
    return logits

if __name__ == "__main__":
    import jax
    _d = setup_inputs()
    print(jax.jit(kernel)(*tuple(_d.values())))

</pallas_src>

<mosaic_0001>
#map = affine_map<(d0, d1) -> (0, 0)>
#map1 = affine_map<(d0, d1) -> (0, 0, 0)>
module attributes {stable_mosaic.version = 14 : i64} {
  func.func @_sc_gather(%arg0: i32, %arg1: i32, %arg2: memref<8192x8192xf32, #tpu.memory_space<hbm>>, %arg3: memref<32x64x2xi32, #tpu.memory_space<hbm>>, %arg4: memref<4096x8192xf32, #tpu.memory_space<hbm>>, %arg5: memref<64x2xi32, #tpu.memory_space<vmem>>, %arg6: memref<2x8192xf32, #tpu.memory_space<vmem>>, %arg7: memref<2x8192xf32, #tpu.memory_space<vmem>>, %arg8: memref<2x8192xf32, #tpu.memory_space<vmem>>, %arg9: memref<2x8192xf32, #tpu.memory_space<vmem>>, %arg10: memref<2x8192xf32, #tpu.memory_space<vmem>>, %arg11: memref<2x8192xf32, #tpu.memory_space<vmem>>, %arg12: memref<!tpu.dma_semaphore, #tpu.memory_space<semaphore_mem>>, %arg13: memref<!tpu.dma_semaphore, #tpu.memory_space<semaphore_mem>>, %arg14: memref<!tpu.dma_semaphore, #tpu.memory_space<semaphore_mem>>, %arg15: memref<!tpu.dma_semaphore, #tpu.memory_space<semaphore_mem>>, %arg16: memref<!tpu.dma_semaphore, #tpu.memory_space<semaphore_mem>>, %arg17: memref<!tpu.dma_semaphore, #tpu.memory_space<semaphore_mem>>, %arg18: memref<!tpu.dma_semaphore, #tpu.memory_space<semaphore_mem>>, %arg19: memref<!tpu.dma_semaphore, #tpu.memory_space<semaphore_mem>>, %arg20: memref<!tpu.dma_semaphore, #tpu.memory_space<semaphore_mem>>, %arg21: memref<!tpu.dma_semaphore, #tpu.memory_space<semaphore_mem>>, %arg22: memref<!tpu.dma_semaphore, #tpu.memory_space<semaphore_mem>>, %arg23: memref<!tpu.dma_semaphore, #tpu.memory_space<semaphore_mem>>) attributes {dimension_semantics = [#tpu.dimension_semantics<core_parallel>, #tpu.dimension_semantics<subcore_parallel>], iteration_bounds = array<i64: 2, 16>, scalar_prefetch = 0 : i64, scratch_operands = 19 : i64, tpu.core_type = #tpu.core_type<sc_vector_subcore>, window_params = [{transform_indices = #map}, {transform_indices = #map1}, {transform_indices = #map}]} {
    %mul3A = arith.constant 2 : i32
    %mul3A_0 = arith.muli %arg1, %mul3A : i32
    %add3A = arith.addi %mul3A_0, %arg0 : i32
    "tpu.region"() ({
      %run_scoped3A = tpu.sem_alloc : memref<!tpu.dma_semaphore, #tpu.memory_space<semaphore_mem>>
      %dma_start3A_87 = arith.constant 0 : i32
      %dma_start3A_88 = arith.constant 0 : i32
      %dma_start3A_89 = tpu.memref_slice %arg3[%add3A, %dma_start3A_87, %dma_start3A_88] : memref<32x64x2xi32, #tpu.memory_space<hbm>> -> memref<1x64x2xi32, #tpu.memory_space<hbm>>
      %dma_start3A_90 = tpu.memref_squeeze %dma_start3A_89 : memref<1x64x2xi32, #tpu.memory_space<hbm>> -> memref<64x2xi32, #tpu.memory_space<hbm>>
      %dma_start3A_91 = arith.constant 0 : i32
      %dma_start3A_92 = arith.constant 0 : i32
      %dma_start3A_93 = tpu.memref_slice %arg3[%add3A, %dma_start3A_91, %dma_start3A_92] : memref<32x64x2xi32, #tpu.memory_space<hbm>> -> memref<1x64x2xi32, #tpu.memory_space<hbm>>
      %dma_start3A_94 = tpu.memref_squeeze %dma_start3A_93 : memref<1x64x2xi32, #tpu.memory_space<hbm>> -> memref<64x2xi32, #tpu.memory_space<hbm>>
      tpu.enqueue_dma source(%dma_start3A_94 : memref<64x2xi32, #tpu.memory_space<hbm>>) target(%arg5 : memref<64x2xi32, #tpu.memory_space<vmem>>) target_semaphore(%run_scoped3A : memref<!tpu.dma_semaphore, #tpu.memory_space<semaphore_mem>>)
      %dma_wait3A_95 = arith.constant 0 : i32
      %dma_wait3A_96 = arith.constant 0 : i32
      %dma_wait3A_97 = tpu.memref_slice %arg3[%add3A, %dma_wait3A_95, %dma_wait3A_96] : memref<32x64x2xi32, #tpu.memory_space<hbm>> -> memref<1x64x2xi32, #tpu.memory_space<hbm>>
      %dma_wait3A_98 = tpu.memref_squeeze %dma_wait3A_97 : memref<1x64x2xi32, #tpu.memory_space<hbm>> -> memref<64x2xi32, #tpu.memory_space<hbm>>
      %dma_wait3A_99 = arith.constant 0 : i32
      %dma_wait3A_100 = arith.constant 0 : i32
      %dma_wait3A_101 = tpu.memref_slice %arg3[%add3A, %dma_wait3A_99, %dma_wait3A_100] : memref<32x64x2xi32, #tpu.memory_space<hbm>> -> memref<1x64x2xi32, #tpu.memory_space<hbm>>
      %dma_wait3A_102 = tpu.memref_squeeze %dma_wait3A_101 : memref<1x64x2xi32, #tpu.memory_space<hbm>> -> memref<64x2xi32, #tpu.memory_space<hbm>>
      tpu.wait_dma2 semaphore(%run_scoped3A : memref<!tpu.dma_semaphore, #tpu.memory_space<semaphore_mem>>) src(%dma_wait3A_102 : memref<64x2xi32, #tpu.memory_space<hbm>>) dst(%arg5 : memref<64x2xi32, #tpu.memory_space<vmem>>)
      tpu.yield
    }) : () -> ()
    %mul3A_1 = arith.constant 64 : i32
    %mul3A_2 = arith.muli %add3A, %mul3A_1 : i32
    %mul3A_3 = arith.constant 2 : i32
    %mul3A_4 = arith.muli %mul3A_2, %mul3A_3 : i32
    %dma_start3A = arith.constant 0 : i32
    %dma_start3A_5 = arith.constant 0 : i32
    %dma_start3A_6 = tpu.memref_slice %arg5[%dma_start3A, %dma_start3A_5] : memref<64x2xi32, #tpu.memory_space<vmem>> -> memref<1x2xi32, #tpu.memory_space<vmem>>
    %dma_start3A_7 = tpu.memref_squeeze %dma_start3A_6 : memref<1x2xi32, #tpu.memory_space<vmem>> -> memref<2xi32, #tpu.memory_space<vmem>>
    %dma_start3A_8 = arith.constant 0 : i32
    %dma_start3A_9 = arith.constant 0 : i32
    %dma_start3A_10 = tpu.memref_slice %arg2[%dma_start3A_8, %dma_start3A_9] : memref<8192x8192xf32, #tpu.memory_space<hbm>> -> memref<8192x8192xf32, #tpu.memory_space<hbm>>
    tpu.enqueue_indirect_dma source(%dma_start3A_10 : memref<8192x8192xf32, #tpu.memory_space<hbm>>) target(%arg6 : memref<2x8192xf32, #tpu.memory_space<vmem>>) offsets(%dma_start3A_7 : memref<2xi32, #tpu.memory_space<vmem>>) semaphore(%arg12 : memref<!tpu.dma_semaphore, #tpu.memory_space<semaphore_mem>>)
    %dma_start3A_11 = arith.constant 1 : i32
    %dma_start3A_12 = arith.constant 0 : i32
    %dma_start3A_13 = tpu.memref_slice %arg5[%dma_start3A_11, %dma_start3A_12] : memref<64x2xi32, #tpu.memory_space<vmem>> -> memref<1x2xi32, #tpu.memory_space<vmem>>
    %dma_start3A_14 = tpu.memref_squeeze %dma_start3A_13 : memref<1x2xi32, #tpu.memory_space<vmem>> -> memref<2xi32, #tpu.memory_space<vmem>>
    %dma_start3A_15 = arith.constant 0 : i32
    %dma_start3A_16 = arith.constant 0 : i32
    %dma_start3A_17 = tpu.memref_slice %arg2[%dma_start3A_15, %dma_start3A_16] : memref<8192x8192xf32, #tpu.memory_space<hbm>> -> memref<8192x8192xf32, #tpu.memory_space<hbm>>
    tpu.enqueue_indirect_dma source(%dma_start3A_17 : memref<8192x8192xf32, #tpu.memory_space<hbm>>) target(%arg7 : memref<2x8192xf32, #tpu.memory_space<vmem>>) offsets(%dma_start3A_14 : memref<2xi32, #tpu.memory_space<vmem>>) semaphore(%arg13 : memref<!tpu.dma_semaphore, #tpu.memory_space<semaphore_mem>>)
    %dma_start3A_18 = arith.constant 2 : i32
    %dma_start3A_19 = arith.constant 0 : i32
    %dma_start3A_20 = tpu.memref_slice %arg5[%dma_start3A_18, %dma_start3A_19] : memref<64x2xi32, #tpu.memory_space<vmem>> -> memref<1x2xi32, #tpu.memory_space<vmem>>
    %dma_start3A_21 = tpu.memref_squeeze %dma_start3A_20 : memref<1x2xi32, #tpu.memory_space<vmem>> -> memref<2xi32, #tpu.memory_space<vmem>>
    %dma_start3A_22 = arith.constant 0 : i32
    %dma_start3A_23 = arith.constant 0 : i32
    %dma_start3A_24 = tpu.memref_slice %arg2[%dma_start3A_22, %dma_start3A_23] : memref<8192x8192xf32, #tpu.memory_space<hbm>> -> memref<8192x8192xf32, #tpu.memory_space<hbm>>
    tpu.enqueue_indirect_dma source(%dma_start3A_24 : memref<8192x8192xf32, #tpu.memory_space<hbm>>) target(%arg8 : memref<2x8192xf32, #tpu.memory_space<vmem>>) offsets(%dma_start3A_21 : memref<2xi32, #tpu.memory_space<vmem>>) semaphore(%arg14 : memref<!tpu.dma_semaphore, #tpu.memory_space<semaphore_mem>>)
    %dma_start3A_25 = arith.constant 3 : i32
    %dma_start3A_26 = arith.constant 0 : i32
    %dma_start3A_27 = tpu.memref_slice %arg5[%dma_start3A_25, %dma_start3A_26] : memref<64x2xi32, #tpu.memory_space<vmem>> -> memref<1x2xi32, #tpu.memory_space<vmem>>
    %dma_start3A_28 = tpu.memref_squeeze %dma_start3A_27 : memref<1x2xi32, #tpu.memory_space<vmem>> -> memref<2xi32, #tpu.memory_space<vmem>>
    %dma_start3A_29 = arith.constant 0 : i32
    %dma_start3A_30 = arith.constant 0 : i32
    %dma_start3A_31 = tpu.memref_slice %arg2[%dma_start3A_29, %dma_start3A_30] : memref<8192x8192xf32, #tpu.memory_space<hbm>> -> memref<8192x8192xf32, #tpu.memory_space<hbm>>
    tpu.enqueue_indirect_dma source(%dma_start3A_31 : memref<8192x8192xf32, #tpu.memory_space<hbm>>) target(%arg9 : memref<2x8192xf32, #tpu.memory_space<vmem>>) offsets(%dma_start3A_28 : memref<2xi32, #tpu.memory_space<vmem>>) semaphore(%arg15 : memref<!tpu.dma_semaphore, #tpu.memory_space<semaphore_mem>>)
    %dma_start3A_32 = arith.constant 4 : i32
    %dma_start3A_33 = arith.constant 0 : i32
    %dma_start3A_34 = tpu.memref_slice %arg5[%dma_start3A_32, %dma_start3A_33] : memref<64x2xi32, #tpu.memory_space<vmem>> -> memref<1x2xi32, #tpu.memory_space<vmem>>
    %dma_start3A_35 = tpu.memref_squeeze %dma_start3A_34 : memref<1x2xi32, #tpu.memory_space<vmem>> -> memref<2xi32, #tpu.memory_space<vmem>>
    %dma_start3A_36 = arith.constant 0 : i32
    %dma_start3A_37 = arith.constant 0 : i32
    %dma_start3A_38 = tpu.memref_slice %arg2[%dma_start3A_36, %dma_start3A_37] : memref<8192x8192xf32, #tpu.memory_space<hbm>> -> memref<8192x8192xf32, #tpu.memory_space<hbm>>
    tpu.enqueue_indirect_dma source(%dma_start3A_38 : memref<8192x8192xf32, #tpu.memory_space<hbm>>) target(%arg10 : memref<2x8192xf32, #tpu.memory_space<vmem>>) offsets(%dma_start3A_35 : memref<2xi32, #tpu.memory_space<vmem>>) semaphore(%arg16 : memref<!tpu.dma_semaphore, #tpu.memory_space<semaphore_mem>>)
    %dma_start3A_39 = arith.constant 5 : i32
    %dma_start3A_40 = arith.constant 0 : i32
    %dma_start3A_41 = tpu.memref_slice %arg5[%dma_start3A_39, %dma_start3A_40] : memref<64x2xi32, #tpu.memory_space<vmem>> -> memref<1x2xi32, #tpu.memory_space<vmem>>
    %dma_start3A_42 = tpu.memref_squeeze %dma_start3A_41 : memref<1x2xi32, #tpu.memory_space<vmem>> -> memref<2xi32, #tpu.memory_space<vmem>>
    %dma_start3A_43 = arith.constant 0 : i32
    %dma_start3A_44 = arith.constant 0 : i32
    %dma_start3A_45 = tpu.memref_slice %arg2[%dma_start3A_43, %dma_start3A_44] : memref<8192x8192xf32, #tpu.memory_space<hbm>> -> memref<8192x8192xf32, #tpu.memory_space<hbm>>
    tpu.enqueue_indirect_dma source(%dma_start3A_45 : memref<8192x8192xf32, #tpu.memory_space<hbm>>) target(%arg11 : memref<2x8192xf32, #tpu.memory_space<vmem>>) offsets(%dma_start3A_42 : memref<2xi32, #tpu.memory_space<vmem>>) semaphore(%arg17 : memref<!tpu.dma_semaphore, #tpu.memory_space<semaphore_mem>>)
    %scan3A = arith.constant 0 : i32
    %scan3A_46 = arith.constant 0 : i32
    %scan3A_47 = arith.constant 11 : i32
    %scan3A_48 = arith.addi %scan3A_46, %scan3A_47 : i32
    %scan3A_49 = arith.constant 1 : i32
    %scan3A_50 = scf.for %scan3A_87 = %scan3A_46 to %scan3A_48 step %scan3A_49 iter_args(%scan3A_88 = %scan3A) -> (i32)  : i32 {
      %mul3A_89 = arith.constant 6 : i32
      %mul3A_90 = arith.muli %scan3A_87, %mul3A_89 : i32
      %add3A_91 = arith.constant 0 : i32
      %add3A_92 = arith.addi %mul3A_90, %add3A_91 : i32
      %lt3A = arith.constant 64 : i32
      %lt3A_93 = arith.cmpi slt, %add3A_92, %lt3A : i32
      %convert_element_type3A = arith.extui %lt3A_93 : i1 to i32
      %cond3A = arith.constant 0 : i32
      %cond3A_94 = arith.cmpi ne, %convert_element_type3A, %cond3A : i32
      scf.if %cond3A_94 {
        %add3A_185 = arith.constant 0 : i32
        %add3A_186 = arith.addi %mul3A_90, %add3A_185 : i32
        %dma_wait3A_187 = arith.constant 0 : i32
        %dma_wait3A_188 = tpu.memref_slice %arg5[%add3A_186, %dma_wait3A_187] : memref<64x2xi32, #tpu.memory_space<vmem>> -> memref<1x2xi32, #tpu.memory_space<vmem>>
        %dma_wait3A_189 = tpu.memref_squeeze %dma_wait3A_188 : memref<1x2xi32, #tpu.memory_space<vmem>> -> memref<2xi32, #tpu.memory_space<vmem>>
        %dma_wait3A_190 = arith.constant 0 : i32
        %dma_wait3A_191 = arith.constant 0 : i32
        %dma_wait3A_192 = tpu.memref_slice %arg2[%dma_wait3A_190, %dma_wait3A_191] : memref<8192x8192xf32, #tpu.memory_space<hbm>> -> memref<8192x8192xf32, #tpu.memory_space<hbm>>
        tpu.wait_indirect_dma semaphore(%arg12 : memref<!tpu.dma_semaphore, #tpu.memory_space<semaphore_mem>>) src(%dma_wait3A_192 : memref<8192x8192xf32, #tpu.memory_space<hbm>>) dst(%arg6 : memref<2x8192xf32, #tpu.memory_space<vmem>>)
        %add3A_193 = arith.constant 0 : i32
        %add3A_194 = arith.addi %mul3A_90, %add3A_193 : i32
        %mul3A_195 = arith.constant 2 : i32
        %mul3A_196 = arith.muli %add3A_194, %mul3A_195 : i32
        %add3A_197 = arith.addi %mul3A_4, %mul3A_196 : i32
        %dma_start3A_198 = arith.constant 0 : i32
        %dma_start3A_199 = tpu.memref_slice %arg4[%add3A_197, %dma_start3A_198] : memref<4096x8192xf32, #tpu.memory_space<hbm>> -> memref<2x8192xf32, #tpu.memory_space<hbm>>
        %dma_start3A_200 = arith.constant 0 : i32
        %dma_start3A_201 = tpu.memref_slice %arg4[%add3A_197, %dma_start3A_200] : memref<4096x8192xf32, #tpu.memory_space<hbm>> -> memref<2x8192xf32, #tpu.memory_space<hbm>>
        tpu.enqueue_dma source(%arg6 : memref<2x8192xf32, #tpu.memory_space<vmem>>) target(%dma_start3A_201 : memref<2x8192xf32, #tpu.memory_space<hbm>>) target_semaphore(%arg18 : memref<!tpu.dma_semaphore, #tpu.memory_space<semaphore_mem>>)
      } else {
      }
      %add3A_95 = arith.constant 1 : i32
      %add3A_96 = arith.addi %mul3A_90, %add3A_95 : i32
      %lt3A_97 = arith.constant 64 : i32
      %lt3A_98 = arith.cmpi slt, %add3A_96, %lt3A_97 : i32
      %convert_element_type3A_99 = arith.extui %lt3A_98 : i1 to i32
      %cond3A_100 = arith.constant 0 : i32
      %cond3A_101 = arith.cmpi ne, %convert_element_type3A_99, %cond3A_100 : i32
      scf.if %cond3A_101 {
        %add3A_185 = arith.constant 1 : i32
        %add3A_186 = arith.addi %mul3A_90, %add3A_185 : i32
        %dma_wait3A_187 = arith.constant 0 : i32
        %dma_wait3A_188 = tpu.memref_slice %arg5[%add3A_186, %dma_wait3A_187] : memref<64x2xi32, #tpu.memory_space<vmem>> -> memref<1x2xi32, #tpu.memory_space<vmem>>
        %dma_wait3A_189 = tpu.memref_squeeze %dma_wait3A_188 : memref<1x2xi32, #tpu.memory_space<vmem>> -> memref<2xi32, #tpu.memory_space<vmem>>
        %dma_wait3A_190 = arith.constant 0 : i32
        %dma_wait3A_191 = arith.constant 0 : i32
        %dma_wait3A_192 = tpu.memref_slice %arg2[%dma_wait3A_190, %dma_wait3A_191] : memref<8192x8192xf32, #tpu.memory_space<hbm>> -> memref<8192x8192xf32, #tpu.memory_space<hbm>>
        tpu.wait_indirect_dma semaphore(%arg13 : memref<!tpu.dma_semaphore, #tpu.memory_space<semaphore_mem>>) src(%dma_wait3A_192 : memref<8192x8192xf32, #tpu.memory_space<hbm>>) dst(%arg7 : memref<2x8192xf32, #tpu.memory_space<vmem>>)
        %add3A_193 = arith.constant 1 : i32
        %add3A_194 = arith.addi %mul3A_90, %add3A_193 : i32
        %mul3A_195 = arith.constant 2 : i32
        %mul3A_196 = arith.muli %add3A_194, %mul3A_195 : i32
        %add3A_197 = arith.addi %mul3A_4, %mul3A_196 : i32
        %dma_start3A_198 = arith.constant 0 : i32
        %dma_start3A_199 = tpu.memref_slice %arg4[%add3A_197, %dma_start3A_198] : memref<4096x8192xf32, #tpu.memory_space<hbm>> -> memref<2x8192xf32, #tpu.memory_space<hbm>>
        %dma_start3A_200 = arith.constant 0 : i32
        %dma_start3A_201 = tpu.memref_slice %arg4[%add3A_197, %dma_start3A_200] : memref<4096x8192xf32, #tpu.memory_space<hbm>> -> memref<2x8192xf32, #tpu.memory_space<hbm>>
        tpu.enqueue_dma source(%arg7 : memref<2x8192xf32, #tpu.memory_space<vmem>>) target(%dma_start3A_201 : memref<2x8192xf32, #tpu.memory_space<hbm>>) target_semaphore(%arg19 : memref<!tpu.dma_semaphore, #tpu.memory_space<semaphore_mem>>)
      } else {
      }
      %add3A_102 = arith.constant 2 : i32
      %add3A_103 = arith.addi %mul3A_90, %add3A_102 : i32
      %lt3A_104 = arith.constant 64 : i32
      %lt3A_105 = arith.cmpi slt, %add3A_103, %lt3A_104 : i32
      %convert_element_type3A_106 = arith.extui %lt3A_105 : i1 to i32
      %cond3A_107 = arith.constant 0 : i32
      %cond3A_108 = arith.cmpi ne, %convert_element_type3A_106, %cond3A_107 : i32
      scf.if %cond3A_108 {
        %add3A_185 = arith.constant 2 : i32
        %add3A_186 = arith.addi %mul3A_90, %add3A_185 : i32
        %dma_wait3A_187 = arith.constant 0 : i32
        %dma_wait3A_188 = tpu.memref_slice %arg5[%add3A_186, %dma_wait3A_187] : memref<64x2xi32, #tpu.memory_space<vmem>> -> memref<1x2xi32, #tpu.memory_space<vmem>>
        %dma_wait3A_189 = tpu.memref_squeeze %dma_wait3A_188 : memref<1x2xi32, #tpu.memory_space<vmem>> -> memref<2xi32, #tpu.memory_space<vmem>>
        %dma_wait3A_190 = arith.constant 0 : i32
        %dma_wait3A_191 = arith.constant 0 : i32
        %dma_wait3A_192 = tpu.memref_slice %arg2[%dma_wait3A_190, %dma_wait3A_191] : memref<8192x8192xf32, #tpu.memory_space<hbm>> -> memref<8192x8192xf32, #tpu.memory_space<hbm>>
        tpu.wait_indirect_dma semaphore(%arg14 : memref<!tpu.dma_semaphore, #tpu.memory_space<semaphore_mem>>) src(%dma_wait3A_192 : memref<8192x8192xf32, #tpu.memory_space<hbm>>) dst(%arg8 : memref<2x8192xf32, #tpu.memory_space<vmem>>)
        %add3A_193 = arith.constant 2 : i32
        %add3A_194 = arith.addi %mul3A_90, %add3A_193 : i32
        %mul3A_195 = arith.constant 2 : i32
        %mul3A_196 = arith.muli %add3A_194, %mul3A_195 : i32
        %add3A_197 = arith.addi %mul3A_4, %mul3A_196 : i32
        %dma_start3A_198 = arith.constant 0 : i32
        %dma_start3A_199 = tpu.memref_slice %arg4[%add3A_197, %dma_start3A_198] : memref<4096x8192xf32, #tpu.memory_space<hbm>> -> memref<2x8192xf32, #tpu.memory_space<hbm>>
        %dma_start3A_200 = arith.constant 0 : i32
        %dma_start3A_201 = tpu.memref_slice %arg4[%add3A_197, %dma_start3A_200] : memref<4096x8192xf32, #tpu.memory_space<hbm>> -> memref<2x8192xf32, #tpu.memory_space<hbm>>
        tpu.enqueue_dma source(%arg8 : memref<2x8192xf32, #tpu.memory_space<vmem>>) target(%dma_start3A_201 : memref<2x8192xf32, #tpu.memory_space<hbm>>) target_semaphore(%arg20 : memref<!tpu.dma_semaphore, #tpu.memory_space<semaphore_mem>>)
      } else {
      }
      %add3A_109 = arith.constant 3 : i32
      %add3A_110 = arith.addi %mul3A_90, %add3A_109 : i32
      %lt3A_111 = arith.constant 64 : i32
      %lt3A_112 = arith.cmpi slt, %add3A_110, %lt3A_111 : i32
      %convert_element_type3A_113 = arith.extui %lt3A_112 : i1 to i32
      %cond3A_114 = arith.constant 0 : i32
      %cond3A_115 = arith.cmpi ne, %convert_element_type3A_113, %cond3A_114 : i32
      scf.if %cond3A_115 {
        %add3A_185 = arith.constant 3 : i32
        %add3A_186 = arith.addi %mul3A_90, %add3A_185 : i32
        %dma_wait3A_187 = arith.constant 0 : i32
        %dma_wait3A_188 = tpu.memref_slice %arg5[%add3A_186, %dma_wait3A_187] : memref<64x2xi32, #tpu.memory_space<vmem>> -> memref<1x2xi32, #tpu.memory_space<vmem>>
        %dma_wait3A_189 = tpu.memref_squeeze %dma_wait3A_188 : memref<1x2xi32, #tpu.memory_space<vmem>> -> memref<2xi32, #tpu.memory_space<vmem>>
        %dma_wait3A_190 = arith.constant 0 : i32
        %dma_wait3A_191 = arith.constant 0 : i32
        %dma_wait3A_192 = tpu.memref_slice %arg2[%dma_wait3A_190, %dma_wait3A_191] : memref<8192x8192xf32, #tpu.memory_space<hbm>> -> memref<8192x8192xf32, #tpu.memory_space<hbm>>
        tpu.wait_indirect_dma semaphore(%arg15 : memref<!tpu.dma_semaphore, #tpu.memory_space<semaphore_mem>>) src(%dma_wait3A_192 : memref<8192x8192xf32, #tpu.memory_space<hbm>>) dst(%arg9 : memref<2x8192xf32, #tpu.memory_space<vmem>>)
        %add3A_193 = arith.constant 3 : i32
        %add3A_194 = arith.addi %mul3A_90, %add3A_193 : i32
        %mul3A_195 = arith.constant 2 : i32
        %mul3A_196 = arith.muli %add3A_194, %mul3A_195 : i32
        %add3A_197 = arith.addi %mul3A_4, %mul3A_196 : i32
        %dma_start3A_198 = arith.constant 0 : i32
        %dma_start3A_199 = tpu.memref_slice %arg4[%add3A_197, %dma_start3A_198] : memref<4096x8192xf32, #tpu.memory_space<hbm>> -> memref<2x8192xf32, #tpu.memory_space<hbm>>
        %dma_start3A_200 = arith.constant 0 : i32
        %dma_start3A_201 = tpu.memref_slice %arg4[%add3A_197, %dma_start3A_200] : memref<4096x8192xf32, #tpu.memory_space<hbm>> -> memref<2x8192xf32, #tpu.memory_space<hbm>>
        tpu.enqueue_dma source(%arg9 : memref<2x8192xf32, #tpu.memory_space<vmem>>) target(%dma_start3A_201 : memref<2x8192xf32, #tpu.memory_space<hbm>>) target_semaphore(%arg21 : memref<!tpu.dma_semaphore, #tpu.memory_space<semaphore_mem>>)
      } else {
      }
      %add3A_116 = arith.constant 4 : i32
      %add3A_117 = arith.addi %mul3A_90, %add3A_116 : i32
      %lt3A_118 = arith.constant 64 : i32
      %lt3A_119 = arith.cmpi slt, %add3A_117, %lt3A_118 : i32
      %convert_element_type3A_120 = arith.extui %lt3A_119 : i1 to i32
      %cond3A_121 = arith.constant 0 : i32
      %cond3A_122 = arith.cmpi ne, %convert_element_type3A_120, %cond3A_121 : i32
      scf.if %cond3A_122 {
        %add3A_185 = arith.constant 4 : i32
        %add3A_186 = arith.addi %mul3A_90, %add3A_185 : i32
        %dma_wait3A_187 = arith.constant 0 : i32
        %dma_wait3A_188 = tpu.memref_slice %arg5[%add3A_186, %dma_wait3A_187] : memref<64x2xi32, #tpu.memory_space<vmem>> -> memref<1x2xi32, #tpu.memory_space<vmem>>
        %dma_wait3A_189 = tpu.memref_squeeze %dma_wait3A_188 : memref<1x2xi32, #tpu.memory_space<vmem>> -> memref<2xi32, #tpu.memory_space<vmem>>
        %dma_wait3A_190 = arith.constant 0 : i32
        %dma_wait3A_191 = arith.constant 0 : i32
        %dma_wait3A_192 = tpu.memref_slice %arg2[%dma_wait3A_190, %dma_wait3A_191] : memref<8192x8192xf32, #tpu.memory_space<hbm>> -> memref<8192x8192xf32, #tpu.memory_space<hbm>>
        tpu.wait_indirect_dma semaphore(%arg16 : memref<!tpu.dma_semaphore, #tpu.memory_space<semaphore_mem>>) src(%dma_wait3A_192 : memref<8192x8192xf32, #tpu.memory_space<hbm>>) dst(%arg10 : memref<2x8192xf32, #tpu.memory_space<vmem>>)
        %add3A_193 = arith.constant 4 : i32
        %add3A_194 = arith.addi %mul3A_90, %add3A_193 : i32
        %mul3A_195 = arith.constant 2 : i32
        %mul3A_196 = arith.muli %add3A_194, %mul3A_195 : i32
        %add3A_197 = arith.addi %mul3A_4, %mul3A_196 : i32
        %dma_start3A_198 = arith.constant 0 : i32
        %dma_start3A_199 = tpu.memref_slice %arg4[%add3A_197, %dma_start3A_198] : memref<4096x8192xf32, #tpu.memory_space<hbm>> -> memref<2x8192xf32, #tpu.memory_space<hbm>>
        %dma_start3A_200 = arith.constant 0 : i32
        %dma_start3A_201 = tpu.memref_slice %arg4[%add3A_197, %dma_start3A_200] : memref<4096x8192xf32, #tpu.memory_space<hbm>> -> memref<2x8192xf32, #tpu.memory_space<hbm>>
        tpu.enqueue_dma source(%arg10 : memref<2x8192xf32, #tpu.memory_space<vmem>>) target(%dma_start3A_201 : memref<2x8192xf32, #tpu.memory_space<hbm>>) target_semaphore(%arg22 : memref<!tpu.dma_semaphore, #tpu.memory_space<semaphore_mem>>)
      } else {
      }
      %add3A_123 = arith.constant 5 : i32
      %add3A_124 = arith.addi %mul3A_90, %add3A_123 : i32
      %lt3A_125 = arith.constant 64 : i32
      %lt3A_126 = arith.cmpi slt, %add3A_124, %lt3A_125 : i32
      %convert_element_type3A_127 = arith.extui %lt3A_126 : i1 to i32
      %cond3A_128 = arith.constant 0 : i32
      %cond3A_129 = arith.cmpi ne, %convert_element_type3A_127, %cond3A_128 : i32
      scf.if %cond3A_129 {
        %add3A_185 = arith.constant 5 : i32
        %add3A_186 = arith.addi %mul3A_90, %add3A_185 : i32
        %dma_wait3A_187 = arith.constant 0 : i32
        %dma_wait3A_188 = tpu.memref_slice %arg5[%add3A_186, %dma_wait3A_187] : memref<64x2xi32, #tpu.memory_space<vmem>> -> memref<1x2xi32, #tpu.memory_space<vmem>>
        %dma_wait3A_189 = tpu.memref_squeeze %dma_wait3A_188 : memref<1x2xi32, #tpu.memory_space<vmem>> -> memref<2xi32, #tpu.memory_space<vmem>>
        %dma_wait3A_190 = arith.constant 0 : i32
        %dma_wait3A_191 = arith.constant 0 : i32
        %dma_wait3A_192 = tpu.memref_slice %arg2[%dma_wait3A_190, %dma_wait3A_191] : memref<8192x8192xf32, #tpu.memory_space<hbm>> -> memref<8192x8192xf32, #tpu.memory_space<hbm>>
        tpu.wait_indirect_dma semaphore(%arg17 : memref<!tpu.dma_semaphore, #tpu.memory_space<semaphore_mem>>) src(%dma_wait3A_192 : memref<8192x8192xf32, #tpu.memory_space<hbm>>) dst(%arg11 : memref<2x8192xf32, #tpu.memory_space<vmem>>)
        %add3A_193 = arith.constant 5 : i32
        %add3A_194 = arith.addi %mul3A_90, %add3A_193 : i32
        %mul3A_195 = arith.constant 2 : i32
        %mul3A_196 = arith.muli %add3A_194, %mul3A_195 : i32
        %add3A_197 = arith.addi %mul3A_4, %mul3A_196 : i32
        %dma_start3A_198 = arith.constant 0 : i32
        %dma_start3A_199 = tpu.memref_slice %arg4[%add3A_197, %dma_start3A_198] : memref<4096x8192xf32, #tpu.memory_space<hbm>> -> memref<2x8192xf32, #tpu.memory_space<hbm>>
        %dma_start3A_200 = arith.constant 0 : i32
        %dma_start3A_201 = tpu.memref_slice %arg4[%add3A_197, %dma_start3A_200] : memref<4096x8192xf32, #tpu.memory_space<hbm>> -> memref<2x8192xf32, #tpu.memory_space<hbm>>
        tpu.enqueue_dma source(%arg11 : memref<2x8192xf32, #tpu.memory_space<vmem>>) target(%dma_start3A_201 : memref<2x8192xf32, #tpu.memory_space<hbm>>) target_semaphore(%arg23 : memref<!tpu.dma_semaphore, #tpu.memory_space<semaphore_mem>>)
      } else {
      }
      %add3A_130 = arith.constant 0 : i32
      %add3A_131 = arith.addi %mul3A_90, %add3A_130 : i32
      %add3A_132 = arith.constant 6 : i32
      %add3A_133 = arith.addi %add3A_131, %add3A_132 : i32
      %lt3A_134 = arith.constant 64 : i32
      %lt3A_135 = arith.cmpi slt, %add3A_133, %lt3A_134 : i32
      %convert_element_type3A_136 = arith.extui %lt3A_135 : i1 to i32
      %cond3A_137 = arith.constant 0 : i32
      %cond3A_138 = arith.cmpi ne, %convert_element_type3A_136, %cond3A_137 : i32
      scf.if %cond3A_138 {
        %add3A_185 = arith.constant 0 : i32
        %add3A_186 = arith.addi %mul3A_90, %add3A_185 : i32
        %mul3A_187 = arith.constant 2 : i32
        %mul3A_188 = arith.muli %add3A_186, %mul3A_187 : i32
        %add3A_189 = arith.addi %mul3A_4, %mul3A_188 : i32
        %dma_wait3A_190 = arith.constant 0 : i32
        %dma_wait3A_191 = tpu.memref_slice %arg4[%add3A_189, %dma_wait3A_190] : memref<4096x8192xf32, #tpu.memory_space<hbm>> -> memref<2x8192xf32, #tpu.memory_space<hbm>>
        %dma_wait3A_192 = arith.constant 0 : i32
        %dma_wait3A_193 = tpu.memref_slice %arg4[%add3A_189, %dma_wait3A_192] : memref<4096x8192xf32, #tpu.memory_space<hbm>> -> memref<2x8192xf32, #tpu.memory_space<hbm>>
        tpu.wait_dma2 semaphore(%arg18 : memref<!tpu.dma_semaphore, #tpu.memory_space<semaphore_mem>>) src(%arg6 : memref<2x8192xf32, #tpu.memory_space<vmem>>) dst(%dma_wait3A_193 : memref<2x8192xf32, #tpu.memory_space<hbm>>)
        %add3A_194 = arith.constant 6 : i32
        %add3A_195 = arith.addi %mul3A_90, %add3A_194 : i32
        %add3A_196 = arith.constant 0 : i32
        %add3A_197 = arith.addi %add3A_195, %add3A_196 : i32
        %dma_start3A_198 = arith.constant 0 : i32
        %dma_start3A_199 = tpu.memref_slice %arg5[%add3A_197, %dma_start3A_198] : memref<64x2xi32, #tpu.memory_space<vmem>> -> memref<1x2xi32, #tpu.memory_space<vmem>>
        %dma_start3A_200 = tpu.memref_squeeze %dma_start3A_199 : memref<1x2xi32, #tpu.memory_space<vmem>> -> memref<2xi32, #tpu.memory_space<vmem>>
        %dma_start3A_201 = arith.constant 0 : i32
        %dma_start3A_202 = arith.constant 0 : i32
        %dma_start3A_203 = tpu.memref_slice %arg2[%dma_start3A_201, %dma_start3A_202] : memref<8192x8192xf32, #tpu.memory_space<hbm>> -> memref<8192x8192xf32, #tpu.memory_space<hbm>>
        tpu.enqueue_indirect_dma source(%dma_start3A_203 : memref<8192x8192xf32, #tpu.memory_space<hbm>>) target(%arg6 : memref<2x8192xf32, #tpu.memory_space<vmem>>) offsets(%dma_start3A_200 : memref<2xi32, #tpu.memory_space<vmem>>) semaphore(%arg12 : memref<!tpu.dma_semaphore, #tpu.memory_space<semaphore_mem>>)
      } else {
      }
      %add3A_139 = arith.constant 1 : i32
      %add3A_140 = arith.addi %mul3A_90, %add3A_139 : i32
      %add3A_141 = arith.constant 6 : i32
      %add3A_142 = arith.addi %add3A_140, %add3A_141 : i32
      %lt3A_143 = arith.constant 64 : i32
      %lt3A_144 = arith.cmpi slt, %add3A_142, %lt3A_143 : i32
      %convert_element_type3A_145 = arith.extui %lt3A_144 : i1 to i32
      %cond3A_146 = arith.constant 0 : i32
      %cond3A_147 = arith.cmpi ne, %convert_element_type3A_145, %cond3A_146 : i32
      scf.if %cond3A_147 {
        %add3A_185 = arith.constant 1 : i32
        %add3A_186 = arith.addi %mul3A_90, %add3A_185 : i32
        %mul3A_187 = arith.constant 2 : i32
        %mul3A_188 = arith.muli %add3A_186, %mul3A_187 : i32
        %add3A_189 = arith.addi %mul3A_4, %mul3A_188 : i32
        %dma_wait3A_190 = arith.constant 0 : i32
        %dma_wait3A_191 = tpu.memref_slice %arg4[%add3A_189, %dma_wait3A_190] : memref<4096x8192xf32, #tpu.memory_space<hbm>> -> memref<2x8192xf32, #tpu.memory_space<hbm>>
        %dma_wait3A_192 = arith.constant 0 : i32
        %dma_wait3A_193 = tpu.memref_slice %arg4[%add3A_189, %dma_wait3A_192] : memref<4096x8192xf32, #tpu.memory_space<hbm>> -> memref<2x8192xf32, #tpu.memory_space<hbm>>
        tpu.wait_dma2 semaphore(%arg19 : memref<!tpu.dma_semaphore, #tpu.memory_space<semaphore_mem>>) src(%arg7 : memref<2x8192xf32, #tpu.memory_space<vmem>>) dst(%dma_wait3A_193 : memref<2x8192xf32, #tpu.memory_space<hbm>>)
        %add3A_194 = arith.constant 6 : i32
        %add3A_195 = arith.addi %mul3A_90, %add3A_194 : i32
        %add3A_196 = arith.constant 1 : i32
        %add3A_197 = arith.addi %add3A_195, %add3A_196 : i32
        %dma_start3A_198 = arith.constant 0 : i32
        %dma_start3A_199 = tpu.memref_slice %arg5[%add3A_197, %dma_start3A_198] : memref<64x2xi32, #tpu.memory_space<vmem>> -> memref<1x2xi32, #tpu.memory_space<vmem>>
        %dma_start3A_200 = tpu.memref_squeeze %dma_start3A_199 : memref<1x2xi32, #tpu.memory_space<vmem>> -> memref<2xi32, #tpu.memory_space<vmem>>
        %dma_start3A_201 = arith.constant 0 : i32
        %dma_start3A_202 = arith.constant 0 : i32
        %dma_start3A_203 = tpu.memref_slice %arg2[%dma_start3A_201, %dma_start3A_202] : memref<8192x8192xf32, #tpu.memory_space<hbm>> -> memref<8192x8192xf32, #tpu.memory_space<hbm>>
        tpu.enqueue_indirect_dma source(%dma_start3A_203 : memref<8192x8192xf32, #tpu.memory_space<hbm>>) target(%arg7 : memref<2x8192xf32, #tpu.memory_space<vmem>>) offsets(%dma_start3A_200 : memref<2xi32, #tpu.memory_space<vmem>>) semaphore(%arg13 : memref<!tpu.dma_semaphore, #tpu.memory_space<semaphore_mem>>)
      } else {
      }
      %add3A_148 = arith.constant 2 : i32
      %add3A_149 = arith.addi %mul3A_90, %add3A_148 : i32
      %add3A_150 = arith.constant 6 : i32
      %add3A_151 = arith.addi %add3A_149, %add3A_150 : i32
      %lt3A_152 = arith.constant 64 : i32
      %lt3A_153 = arith.cmpi slt, %add3A_151, %lt3A_152 : i32
      %convert_element_type3A_154 = arith.extui %lt3A_153 : i1 to i32
      %cond3A_155 = arith.constant 0 : i32
      %cond3A_156 = arith.cmpi ne, %convert_element_type3A_154, %cond3A_155 : i32
      scf.if %cond3A_156 {
        %add3A_185 = arith.constant 2 : i32
        %add3A_186 = arith.addi %mul3A_90, %add3A_185 : i32
        %mul3A_187 = arith.constant 2 : i32
        %mul3A_188 = arith.muli %add3A_186, %mul3A_187 : i32
        %add3A_189 = arith.addi %mul3A_4, %mul3A_188 : i32
        %dma_wait3A_190 = arith.constant 0 : i32
        %dma_wait3A_191 = tpu.memref_slice %arg4[%add3A_189, %dma_wait3A_190] : memref<4096x8192xf32, #tpu.memory_space<hbm>> -> memref<2x8192xf32, #tpu.memory_space<hbm>>
        %dma_wait3A_192 = arith.constant 0 : i32
        %dma_wait3A_193 = tpu.memref_slice %arg4[%add3A_189, %dma_wait3A_192] : memref<4096x8192xf32, #tpu.memory_space<hbm>> -> memref<2x8192xf32, #tpu.memory_space<hbm>>
        tpu.wait_dma2 semaphore(%arg20 : memref<!tpu.dma_semaphore, #tpu.memory_space<semaphore_mem>>) src(%arg8 : memref<2x8192xf32, #tpu.memory_space<vmem>>) dst(%dma_wait3A_193 : memref<2x8192xf32, #tpu.memory_space<hbm>>)
        %add3A_194 = arith.constant 6 : i32
        %add3A_195 = arith.addi %mul3A_90, %add3A_194 : i32
        %add3A_196 = arith.constant 2 : i32
        %add3A_197 = arith.addi %add3A_195, %add3A_196 : i32
        %dma_start3A_198 = arith.constant 0 : i32
        %dma_start3A_199 = tpu.memref_slice %arg5[%add3A_197, %dma_start3A_198] : memref<64x2xi32, #tpu.memory_space<vmem>> -> memref<1x2xi32, #tpu.memory_space<vmem>>
        %dma_start3A_200 = tpu.memref_squeeze %dma_start3A_199 : memref<1x2xi32, #tpu.memory_space<vmem>> -> memref<2xi32, #tpu.memory_space<vmem>>
        %dma_start3A_201 = arith.constant 0 : i32
        %dma_start3A_202 = arith.constant 0 : i32
        %dma_start3A_203 = tpu.memref_slice %arg2[%dma_start3A_201, %dma_start3A_202] : memref<8192x8192xf32, #tpu.memory_space<hbm>> -> memref<8192x8192xf32, #tpu.memory_space<hbm>>
        tpu.enqueue_indirect_dma source(%dma_start3A_203 : memref<8192x8192xf32, #tpu.memory_space<hbm>>) target(%arg8 : memref<2x8192xf32, #tpu.memory_space<vmem>>) offsets(%dma_start3A_200 : memref<2xi32, #tpu.memory_space<vmem>>) semaphore(%arg14 : memref<!tpu.dma_semaphore, #tpu.memory_space<semaphore_mem>>)
      } else {
      }
      %add3A_157 = arith.constant 3 : i32
      %add3A_158 = arith.addi %mul3A_90, %add3A_157 : i32
      %add3A_159 = arith.constant 6 : i32
      %add3A_160 = arith.addi %add3A_158, %add3A_159 : i32
      %lt3A_161 = arith.constant 64 : i32
      %lt3A_162 = arith.cmpi slt, %add3A_160, %lt3A_161 : i32
      %convert_element_type3A_163 = arith.extui %lt3A_162 : i1 to i32
      %cond3A_164 = arith.constant 0 : i32
      %cond3A_165 = arith.cmpi ne, %convert_element_type3A_163, %cond3A_164 : i32
      scf.if %cond3A_165 {
        %add3A_185 = arith.constant 3 : i32
        %add3A_186 = arith.addi %mul3A_90, %add3A_185 : i32
        %mul3A_187 = arith.constant 2 : i32
        %mul3A_188 = arith.muli %add3A_186, %mul3A_187 : i32
        %add3A_189 = arith.addi %mul3A_4, %mul3A_188 : i32
        %dma_wait3A_190 = arith.constant 0 : i32
        %dma_wait3A_191 = tpu.memref_slice %arg4[%add3A_189, %dma_wait3A_190] : memref<4096x8192xf32, #tpu.memory_space<hbm>> -> memref<2x8192xf32, #tpu.memory_space<hbm>>
        %dma_wait3A_192 = arith.constant 0 : i32
        %dma_wait3A_193 = tpu.memref_slice %arg4[%add3A_189, %dma_wait3A_192] : memref<4096x8192xf32, #tpu.memory_space<hbm>> -> memref<2x8192xf32, #tpu.memory_space<hbm>>
        tpu.wait_dma2 semaphore(%arg21 : memref<!tpu.dma_semaphore, #tpu.memory_space<semaphore_mem>>) src(%arg9 : memref<2x8192xf32, #tpu.memory_space<vmem>>) dst(%dma_wait3A_193 : memref<2x8192xf32, #tpu.memory_space<hbm>>)
        %add3A_194 = arith.constant 6 : i32
        %add3A_195 = arith.addi %mul3A_90, %add3A_194 : i32
        %add3A_196 = arith.constant 3 : i32
        %add3A_197 = arith.addi %add3A_195, %add3A_196 : i32
        %dma_start3A_198 = arith.constant 0 : i32
        %dma_start3A_199 = tpu.memref_slice %arg5[%add3A_197, %dma_start3A_198] : memref<64x2xi32, #tpu.memory_space<vmem>> -> memref<1x2xi32, #tpu.memory_space<vmem>>
        %dma_start3A_200 = tpu.memref_squeeze %dma_start3A_199 : memref<1x2xi32, #tpu.memory_space<vmem>> -> memref<2xi32, #tpu.memory_space<vmem>>
        %dma_start3A_201 = arith.constant 0 : i32
        %dma_start3A_202 = arith.constant 0 : i32
        %dma_start3A_203 = tpu.memref_slice %arg2[%dma_start3A_201, %dma_start3A_202] : memref<8192x8192xf32, #tpu.memory_space<hbm>> -> memref<8192x8192xf32, #tpu.memory_space<hbm>>
        tpu.enqueue_indirect_dma source(%dma_start3A_203 : memref<8192x8192xf32, #tpu.memory_space<hbm>>) target(%arg9 : memref<2x8192xf32, #tpu.memory_space<vmem>>) offsets(%dma_start3A_200 : memref<2xi32, #tpu.memory_space<vmem>>) semaphore(%arg15 : memref<!tpu.dma_semaphore, #tpu.memory_space<semaphore_mem>>)
      } else {
      }
      %add3A_166 = arith.constant 4 : i32
      %add3A_167 = arith.addi %mul3A_90, %add3A_166 : i32
      %add3A_168 = arith.constant 6 : i32
      %add3A_169 = arith.addi %add3A_167, %add3A_168 : i32
      %lt3A_170 = arith.constant 64 : i32
      %lt3A_171 = arith.cmpi slt, %add3A_169, %lt3A_170 : i32
      %convert_element_type3A_172 = arith.extui %lt3A_171 : i1 to i32
      %cond3A_173 = arith.constant 0 : i32
      %cond3A_174 = arith.cmpi ne, %convert_element_type3A_172, %cond3A_173 : i32
      scf.if %cond3A_174 {
        %add3A_185 = arith.constant 4 : i32
        %add3A_186 = arith.addi %mul3A_90, %add3A_185 : i32
        %mul3A_187 = arith.constant 2 : i32
        %mul3A_188 = arith.muli %add3A_186, %mul3A_187 : i32
        %add3A_189 = arith.addi %mul3A_4, %mul3A_188 : i32
        %dma_wait3A_190 = arith.constant 0 : i32
        %dma_wait3A_191 = tpu.memref_slice %arg4[%add3A_189, %dma_wait3A_190] : memref<4096x8192xf32, #tpu.memory_space<hbm>> -> memref<2x8192xf32, #tpu.memory_space<hbm>>
        %dma_wait3A_192 = arith.constant 0 : i32
        %dma_wait3A_193 = tpu.memref_slice %arg4[%add3A_189, %dma_wait3A_192] : memref<4096x8192xf32, #tpu.memory_space<hbm>> -> memref<2x8192xf32, #tpu.memory_space<hbm>>
        tpu.wait_dma2 semaphore(%arg22 : memref<!tpu.dma_semaphore, #tpu.memory_space<semaphore_mem>>) src(%arg10 : memref<2x8192xf32, #tpu.memory_space<vmem>>) dst(%dma_wait3A_193 : memref<2x8192xf32, #tpu.memory_space<hbm>>)
        %add3A_194 = arith.constant 6 : i32
        %add3A_195 = arith.addi %mul3A_90, %add3A_194 : i32
        %add3A_196 = arith.constant 4 : i32
        %add3A_197 = arith.addi %add3A_195, %add3A_196 : i32
        %dma_start3A_198 = arith.constant 0 : i32
        %dma_start3A_199 = tpu.memref_slice %arg5[%add3A_197, %dma_start3A_198] : memref<64x2xi32, #tpu.memory_space<vmem>> -> memref<1x2xi32, #tpu.memory_space<vmem>>
        %dma_start3A_200 = tpu.memref_squeeze %dma_start3A_199 : memref<1x2xi32, #tpu.memory_space<vmem>> -> memref<2xi32, #tpu.memory_space<vmem>>
        %dma_start3A_201 = arith.constant 0 : i32
        %dma_start3A_202 = arith.constant 0 : i32
        %dma_start3A_203 = tpu.memref_slice %arg2[%dma_start3A_201, %dma_start3A_202] : memref<8192x8192xf32, #tpu.memory_space<hbm>> -> memref<8192x8192xf32, #tpu.memory_space<hbm>>
        tpu.enqueue_indirect_dma source(%dma_start3A_203 : memref<8192x8192xf32, #tpu.memory_space<hbm>>) target(%arg10 : memref<2x8192xf32, #tpu.memory_space<vmem>>) offsets(%dma_start3A_200 : memref<2xi32, #tpu.memory_space<vmem>>) semaphore(%arg16 : memref<!tpu.dma_semaphore, #tpu.memory_space<semaphore_mem>>)
      } else {
      }
      %add3A_175 = arith.constant 5 : i32
      %add3A_176 = arith.addi %mul3A_90, %add3A_175 : i32
      %add3A_177 = arith.constant 6 : i32
      %add3A_178 = arith.addi %add3A_176, %add3A_177 : i32
      %lt3A_179 = arith.constant 64 : i32
      %lt3A_180 = arith.cmpi slt, %add3A_178, %lt3A_179 : i32
      %convert_element_type3A_181 = arith.extui %lt3A_180 : i1 to i32
      %cond3A_182 = arith.constant 0 : i32
      %cond3A_183 = arith.cmpi ne, %convert_element_type3A_181, %cond3A_182 : i32
      scf.if %cond3A_183 {
        %add3A_185 = arith.constant 5 : i32
        %add3A_186 = arith.addi %mul3A_90, %add3A_185 : i32
        %mul3A_187 = arith.constant 2 : i32
        %mul3A_188 = arith.muli %add3A_186, %mul3A_187 : i32
        %add3A_189 = arith.addi %mul3A_4, %mul3A_188 : i32
        %dma_wait3A_190 = arith.constant 0 : i32
        %dma_wait3A_191 = tpu.memref_slice %arg4[%add3A_189, %dma_wait3A_190] : memref<4096x8192xf32, #tpu.memory_space<hbm>> -> memref<2x8192xf32, #tpu.memory_space<hbm>>
        %dma_wait3A_192 = arith.constant 0 : i32
        %dma_wait3A_193 = tpu.memref_slice %arg4[%add3A_189, %dma_wait3A_192] : memref<4096x8192xf32, #tpu.memory_space<hbm>> -> memref<2x8192xf32, #tpu.memory_space<hbm>>
        tpu.wait_dma2 semaphore(%arg23 : memref<!tpu.dma_semaphore, #tpu.memory_space<semaphore_mem>>) src(%arg11 : memref<2x8192xf32, #tpu.memory_space<vmem>>) dst(%dma_wait3A_193 : memref<2x8192xf32, #tpu.memory_space<hbm>>)
        %add3A_194 = arith.constant 6 : i32
        %add3A_195 = arith.addi %mul3A_90, %add3A_194 : i32
        %add3A_196 = arith.constant 5 : i32
        %add3A_197 = arith.addi %add3A_195, %add3A_196 : i32
        %dma_start3A_198 = arith.constant 0 : i32
        %dma_start3A_199 = tpu.memref_slice %arg5[%add3A_197, %dma_start3A_198] : memref<64x2xi32, #tpu.memory_space<vmem>> -> memref<1x2xi32, #tpu.memory_space<vmem>>
        %dma_start3A_200 = tpu.memref_squeeze %dma_start3A_199 : memref<1x2xi32, #tpu.memory_space<vmem>> -> memref<2xi32, #tpu.memory_space<vmem>>
        %dma_start3A_201 = arith.constant 0 : i32
        %dma_start3A_202 = arith.constant 0 : i32
        %dma_start3A_203 = tpu.memref_slice %arg2[%dma_start3A_201, %dma_start3A_202] : memref<8192x8192xf32, #tpu.memory_space<hbm>> -> memref<8192x8192xf32, #tpu.memory_space<hbm>>
        tpu.enqueue_indirect_dma source(%dma_start3A_203 : memref<8192x8192xf32, #tpu.memory_space<hbm>>) target(%arg11 : memref<2x8192xf32, #tpu.memory_space<vmem>>) offsets(%dma_start3A_200 : memref<2xi32, #tpu.memory_space<vmem>>) semaphore(%arg17 : memref<!tpu.dma_semaphore, #tpu.memory_space<semaphore_mem>>)
      } else {
      }
      %scan3A_184 = arith.constant 0 : i32
      scf.yield %scan3A_184 : i32
    }
    %scan3A_51 = arith.constant 11 : i32
    %add3A_52 = arith.constant 116 : i32
    %add3A_53 = arith.addi %mul3A_4, %add3A_52 : i32
    %dma_wait3A = arith.constant 0 : i32
    %dma_wait3A_54 = tpu.memref_slice %arg4[%add3A_53, %dma_wait3A] : memref<4096x8192xf32, #tpu.memory_space<hbm>> -> memref<2x8192xf32, #tpu.memory_space<hbm>>
    %dma_wait3A_55 = arith.constant 0 : i32
    %dma_wait3A_56 = tpu.memref_slice %arg4[%add3A_53, %dma_wait3A_55] : memref<4096x8192xf32, #tpu.memory_space<hbm>> -> memref<2x8192xf32, #tpu.memory_space<hbm>>
    tpu.wait_dma2 semaphore(%arg22 : memref<!tpu.dma_semaphore, #tpu.memory_space<semaphore_mem>>) src(%arg10 : memref<2x8192xf32, #tpu.memory_space<vmem>>) dst(%dma_wait3A_56 : memref<2x8192xf32, #tpu.memory_space<hbm>>)
    %add3A_57 = arith.constant 118 : i32
    %add3A_58 = arith.addi %mul3A_4, %add3A_57 : i32
    %dma_wait3A_59 = arith.constant 0 : i32
    %dma_wait3A_60 = tpu.memref_slice %arg4[%add3A_58, %dma_wait3A_59] : memref<4096x8192xf32, #tpu.memory_space<hbm>> -> memref<2x8192xf32, #tpu.memory_space<hbm>>
    %dma_wait3A_61 = arith.constant 0 : i32
    %dma_wait3A_62 = tpu.memref_slice %arg4[%add3A_58, %dma_wait3A_61] : memref<4096x8192xf32, #tpu.memory_space<hbm>> -> memref<2x8192xf32, #tpu.memory_space<hbm>>
    tpu.wait_dma2 semaphore(%arg23 : memref<!tpu.dma_semaphore, #tpu.memory_space<semaphore_mem>>) src(%arg11 : memref<2x8192xf32, #tpu.memory_space<vmem>>) dst(%dma_wait3A_62 : memref<2x8192xf32, #tpu.memory_space<hbm>>)
    %add3A_63 = arith.constant 120 : i32
    %add3A_64 = arith.addi %mul3A_4, %add3A_63 : i32
    %dma_wait3A_65 = arith.constant 0 : i32
    %dma_wait3A_66 = tpu.memref_slice %arg4[%add3A_64, %dma_wait3A_65] : memref<4096x8192xf32, #tpu.memory_space<hbm>> -> memref<2x8192xf32, #tpu.memory_space<hbm>>
    %dma_wait3A_67 = arith.constant 0 : i32
    %dma_wait3A_68 = tpu.memref_slice %arg4[%add3A_64, %dma_wait3A_67] : memref<4096x8192xf32, #tpu.memory_space<hbm>> -> memref<2x8192xf32, #tpu.memory_space<hbm>>
    tpu.wait_dma2 semaphore(%arg18 : memref<!tpu.dma_semaphore, #tpu.memory_space<semaphore_mem>>) src(%arg6 : memref<2x8192xf32, #tpu.memory_space<vmem>>) dst(%dma_wait3A_68 : memref<2x8192xf32, #tpu.memory_space<hbm>>)
    %add3A_69 = arith.constant 122 : i32
    %add3A_70 = arith.addi %mul3A_4, %add3A_69 : i32
    %dma_wait3A_71 = arith.constant 0 : i32
    %dma_wait3A_72 = tpu.memref_slice %arg4[%add3A_70, %dma_wait3A_71] : memref<4096x8192xf32, #tpu.memory_space<hbm>> -> memref<2x8192xf32, #tpu.memory_space<hbm>>
    %dma_wait3A_73 = arith.constant 0 : i32
    %dma_wait3A_74 = tpu.memref_slice %arg4[%add3A_70, %dma_wait3A_73] : memref<4096x8192xf32, #tpu.memory_space<hbm>> -> memref<2x8192xf32, #tpu.memory_space<hbm>>
    tpu.wait_dma2 semaphore(%arg19 : memref<!tpu.dma_semaphore, #tpu.memory_space<semaphore_mem>>) src(%arg7 : memref<2x8192xf32, #tpu.memory_space<vmem>>) dst(%dma_wait3A_74 : memref<2x8192xf32, #tpu.memory_space<hbm>>)
    %add3A_75 = arith.constant 124 : i32
    %add3A_76 = arith.addi %mul3A_4, %add3A_75 : i32
    %dma_wait3A_77 = arith.constant 0 : i32
    %dma_wait3A_78 = tpu.memref_slice %arg4[%add3A_76, %dma_wait3A_77] : memref<4096x8192xf32, #tpu.memory_space<hbm>> -> memref<2x8192xf32, #tpu.memory_space<hbm>>
    %dma_wait3A_79 = arith.constant 0 : i32
    %dma_wait3A_80 = tpu.memref_slice %arg4[%add3A_76, %dma_wait3A_79] : memref<4096x8192xf32, #tpu.memory_space<hbm>> -> memref<2x8192xf32, #tpu.memory_space<hbm>>
    tpu.wait_dma2 semaphore(%arg20 : memref<!tpu.dma_semaphore, #tpu.memory_space<semaphore_mem>>) src(%arg8 : memref<2x8192xf32, #tpu.memory_space<vmem>>) dst(%dma_wait3A_80 : memref<2x8192xf32, #tpu.memory_space<hbm>>)
    %add3A_81 = arith.constant 126 : i32
    %add3A_82 = arith.addi %mul3A_4, %add3A_81 : i32
    %dma_wait3A_83 = arith.constant 0 : i32
    %dma_wait3A_84 = tpu.memref_slice %arg4[%add3A_82, %dma_wait3A_83] : memref<4096x8192xf32, #tpu.memory_space<hbm>> -> memref<2x8192xf32, #tpu.memory_space<hbm>>
    %dma_wait3A_85 = arith.constant 0 : i32
    %dma_wait3A_86 = tpu.memref_slice %arg4[%add3A_82, %dma_wait3A_85] : memref<4096x8192xf32, #tpu.memory_space<hbm>> -> memref<2x8192xf32, #tpu.memory_space<hbm>>
    tpu.wait_dma2 semaphore(%arg21 : memref<!tpu.dma_semaphore, #tpu.memory_space<semaphore_mem>>) src(%arg9 : memref<2x8192xf32, #tpu.memory_space<vmem>>) dst(%dma_wait3A_86 : memref<2x8192xf32, #tpu.memory_space<hbm>>)
    return
  }
}

</mosaic_0001>

<sc_bundles>
// kernel: kernel.3.cloned.1.call-start
scs
__scs_entry_jumppad:
0x0: {  	(pc) =	sbr.rel $0x88, $3  }
0x1: {  	(tag) =	ssettag $0x0;
	lr =	simm.s32 $0x1  }
0x2: {  	[smem:$0x3F9F] =	sst lr;
	_ =	strace $0xD0000000  }
0x3: {  	_ = 	snop  }
0x4: {  	_ = 	snop  }
0x5: {  	_ = 	snop  }
0x6: {  	_ = 	snop  }
0x7: {  	_ = 	snop  }
__scs_overlays_trampoline_lowered:
0x8: {  	[smem:$0x3FAE] =	sst s0  }
0x9: {  	[smem:$0x3FAF] =	sst s1  }
0xa: {  	[smem:$0x3FB0] =	sst s2  }
0xb: {  	[smem:$0x3FB1] =	sst s3  }
0xc: {  	[smem:$0x3FB2] =	sst s4  }
0xd: {  	[smem:$0x3FB3] =	sst s5  }
0xe: {  	[smem:$0x3FB4] =	sst s6  }
0xf: {  	[smem:$0x3FB5] =	sst s7  }
0x10: {  	[smem:$0x3FB6] =	sst s8  }
0x11: {  	[smem:$0x3FB7] =	sst s9;
	s0 =	simm.s32 @!p0 $0x0  }
0x12: {  	s1 =	sld [smem:$0x3F9D];
	s0 =	simm.s32 @p0 $0x1  }
0x13: {  	[smem:$0x3FB8] =	sst s0;
	s0 =	simm.s32 @!p1 $0x0  }
0x14: {  	s2 =	sld [smem:$0x3F9C];
	s0 =	simm.s32 @p1 $0x1  }
0x15: {  	[smem:$0x3FB9] =	sst s0;
	s0 =	simm.s32 @!p2 $0x0  }
0x16: {  	s3 =	sld [smem:$0x3FDB];
	s0 =	simm.s32 @p2 $0x1  }
0x17: {  	s4 =	simm.s32 $0x1BF5;
	[smem:$0x3FBB] =	sst s0  }
0x18: {  	s0 =	sld [smem:$0x3F9E];
	_ =	swait.ge [sflag:s4], $0x0  }
0x19: {  	s7 =	sld [smem:$0x3F9F]  }
0x1a: {  	s8 =	sadd.s32 $0xFFFFE003, lr  }
0x1b: {  	s9 =	sadd.s32 $0xFFFFFEF7, lr;
	s5 =	simm.s32 $0xFFFFFFFF;
	p2 =	slt.u32 s8, $0xFFFFF086  }
0x1c: {  	p1 =	slt.u32 s9, $0xF7A;
	s5 =	simm.s32 @!p2 $0x0  }
0x1d: {  	s5 =	simm.s32 @p1 $0x1;
	p0 =	seq.s32 s7, s2  }
0x1e: {  	s7 =	smul.u32 @!p0 $0xF7A, s2;
	p2 =	seq.s32 @!p0 s5, $0x0  }
0x1f: {  	s9 =	smul.u32 $0xF7A, s1;
	s8 =	simm.s32 @!p0 $0x1BF5;
	p2 =	por !p2, p0  }
0x20: {  	[sflag:s8] =	ssyncset.s32 @!p0 $0xFFFFF086;
	s6 =	sadd.s32 @!p0 s3, s7;
	s7 =	simm.s32 @!p0 $0x108  }
0x21: {  	s3 =	sadd.s32 s3, s9;
	s6 =	sadd.s32 @!p0 $0x88, s6;
	s7 =	simm.s32 @p2 $0x1082  }
0x22: {  	[simem:s7], [sflag:s8] =	dma.local @!p0 [hbm:s6], $0xF7A  }
0x23: {  	s9 =	sor.u32 $0xD0000000, s2;
	s6 =	simm.s32 $0x108;
	_ =	swait.ge @!p0 [sflag:s8], $0x0  }
0x24: {  	s3 =	sadd.s32 $0x88, s3;
	s6 =	simm.s32 @!p1 $0x1082;
	[sflag:s4] =	ssyncset.s32 $0xFFFFF086  }
0x25: {  	[simem:s6], [sflag:s4] =	dma.local [hbm:s3], $0xF7A  }
0x26: {  	[smem:$0x3F9F] =	sst s1;
	(tag) =	ssettag s2;
	_ =	strace s9  }
0x27: {  	s1 =	sld [smem:$0x3FAF]  }
0x28: {  	s2 =	sld [smem:$0x3FB0]  }
0x29: {  	s4 =	sld [smem:$0x3FB2]  }
0x2a: {  	p0 =	seq.s32 s5, $0x0;
	s5 =	sld [smem:$0x3FB3]  }
0x2b: {  	s6 =	sld [smem:$0x3FB4]  }
0x2c: {  	s7 =	sld [smem:$0x3FB5]  }
0x2d: {  	s3 =	simm.s32 $0x108;
	s8 =	sld [smem:$0x3FB6]  }
0x2e: {  	s3 =	simm.s32 @!p0 $0x1082;
	s9 =	sld [smem:$0x3FB7]  }
0x2f: {  	lr =	sadd.s32 s0, s3;
	s0 =	sld [smem:$0x3FAE]  }
0x30: {  	s3 =	sld [smem:$0x3FB1]  }
0x31: {  	[smem:$0x3FBA] =	sst s10  }
0x32: {  	s10 =	sld [smem:$0x3FB8];
	_ =	sdelay $0x3  }
0x33: {  	p0 =	seq.s32 s10, $0x1;
	s10 =	sld [smem:$0x3FBA];
	_ =	sdelay $0x3  }
0x34: {  	[smem:$0x3FBA] =	sst s10  }
0x35: {  	s10 =	sld [smem:$0x3FB9];
	_ =	sdelay $0x3  }
0x36: {  	p1 =	seq.s32 s10, $0x1;
	s10 =	sld [smem:$0x3FBA];
	_ =	sdelay $0x3  }
0x37: {  	[smem:$0x3FBA] =	sst s10  }
0x38: {  	s10 =	sld [smem:$0x3FBB]  }
0x39: {  	_ = 	snop;
	(pc) =	sbr.ind lr, $3  }
0x3a: {  	_ = 	snop  }
0x3b: {  	_ = 	snop  }
0x3c: {  	p2 =	seq.s32 s10, $0x1;
	s10 =	sld [smem:$0x3FBA]  }
0x3d: {  	_ =	shalt  }
0x3e: {  	_ =	shalt  }
0x3f: {  	_ =	shalt  }
0x40: {  	_ =	shalt  }
0x41: {  	_ =	shalt  }
0x42: {  	_ =	shalt  }
0x43: {  	_ =	shalt  }
0x44: {  	_ =	shalt  }
0x45: {  	_ =	shalt  }
0x46: {  	_ =	shalt  }
0x47: {  	_ =	shalt  }
0x48: {  	_ =	shalt  }
0x49: {  	_ =	shalt  }
0x4a: {  	_ =	shalt  }
0x4b: {  	_ =	shalt  }
0x4c: {  	_ =	shalt  }
0x4d: {  	_ =	shalt  }
0x4e: {  	_ =	shalt  }
0x4f: {  	_ =	shalt  }
0x50: {  	_ =	shalt  }
0x51: {  	_ =	shalt  }
0x52: {  	_ =	shalt  }
0x53: {  	_ =	shalt  }
0x54: {  	_ =	shalt  }
0x55: {  	_ =	shalt  }
0x56: {  	_ =	shalt  }
0x57: {  	_ =	shalt  }
0x58: {  	_ =	shalt  }
0x59: {  	_ =	shalt  }
0x5a: {  	_ =	shalt  }
0x5b: {  	_ =	shalt  }
0x5c: {  	_ =	shalt  }
0x5d: {  	_ =	shalt  }
0x5e: {  	_ =	shalt  }
0x5f: {  	_ =	shalt  }
0x60: {  	_ =	shalt  }
0x61: {  	_ =	shalt  }
0x62: {  	_ =	shalt  }
0x63: {  	_ =	shalt  }
0x64: {  	_ =	shalt  }
0x65: {  	_ =	shalt  }
0x66: {  	_ =	shalt  }
0x67: {  	_ =	shalt  }
0x68: {  	_ =	shalt  }
0x69: {  	_ =	shalt  }
0x6a: {  	_ =	shalt  }
0x6b: {  	_ =	shalt  }
0x6c: {  	_ =	shalt  }
0x6d: {  	_ =	shalt  }
0x6e: {  	_ =	shalt  }
0x6f: {  	_ =	shalt  }
0x70: {  	_ =	shalt  }
0x71: {  	_ =	shalt  }
0x72: {  	_ =	shalt  }
0x73: {  	_ =	shalt  }
0x74: {  	_ =	shalt  }
0x75: {  	_ =	shalt  }
0x76: {  	_ =	shalt  }
0x77: {  	_ =	shalt  }
0x78: {  	_ =	shalt  }
0x79: {  	_ =	shalt  }
0x7a: {  	_ =	shalt  }
0x7b: {  	_ =	shalt  }
0x7c: {  	_ =	shalt  }
0x7d: {  	_ =	shalt  }
0x7e: {  	_ =	shalt  }
0x7f: {  	_ =	shalt  }
0x80: {  	_ =	shalt  }
0x81: {  	_ =	shalt  }
0x82: {  	_ =	shalt  }
0x83: {  	_ =	shalt  }
0x84: {  	_ =	shalt  }
0x85: {  	_ =	shalt  }
0x86: {  	_ =	shalt  }
0x87: {  	_ =	shalt  }
.Lfunc_end0:
.L_simem_size_0:
called_computation_lowered:
.L_overlay_start_0:
0x88: {  	s2 =	sld [smem:$0x3FD9]  }
0x89: {  	s3 =	sld [smem:$0x3FFE];
	_ =	sdelay $0x1  }
0x8a: {  	s1 =	srdreg.scid  }
0x8b: {  	s0 =	sand.u32 $0x1, s1  }
0x8c: {  	s17 =	sshll.u32 s0, $0xA;
	s2 =	sadd.s32 s3, s2  }
0x8d: {  	s2 =	sadd.s32 s2, s17  }
0x8e: {  	[smem:$0x3FC6] =	sst s2  }
0x8f: {  	_ = 	snop  }
0x90: {  	s2 =	sld [smem:$0x3FC8]  }
0x91: {  	s18 =	sld [smem:$0x3FD0];
	(tm) =	ssettm $0x1  }
0x92: {  	s4 =	sld [smem:$0x3FFB];
	_ =	sdelay $0x3  }
0x93: {  	_ =	strace s4  }
0x94: {  	s4 =	sld [smem:$0x3FFC];
	_ =	sdelay $0x3  }
0x95: {  	_ =	strace s4  }
0x96: {  	s4 =	sld [smem:$0x3FFD];
	_ =	sdelay $0x3  }
0x97: {  	_ =	strace s4  }
0x98: {  	_ =	strace $0x8FFFFFFF  }
0x99: {  	s19 =	sld [smem:$0x3FDB];
	_ =	sdelay $0x1  }
0x9a: {  	s5 =	simm.s32 $_scs_section_size  }
0x9b: {  	s6 =	simm.s32 $_size__tile_overlayer_lowered;
	s7 =	simm.s32 $_tile_overlayer_lowered  }
0x9c: {  	s22 =	simm.s32 $0x1BFF;
	s21 =	sshll.u32 s7, $0x1;
	s4 =	sadd.s32 s5, s19  }
0x9d: {  	s8 =	simm.s32 $0x0;
	s20 =	sshll.u32 s6, $0x1;
	s6 =	sadd.s32 s21, s4  }
0x9e: {  	[timem:s8], [sflag:s22] =	dma.local [hbm:s6], s20  }
0x9f: {  	_ =	swait.ge [sflag:s22], s20  }
0xa0: {  	s5 =	ssub.s32 $0x0, s20;
	[sflag:s22] =	ssyncset.done $0x0  }
0xa1: {  	[sflag:s22] =	ssyncadd.s32 s5;
	_ =	sdelay $0x1  }
0xa2: {  	s23 =	simm.s32 $0x1B8B  }
0xa3: {  	_ =	swait.ge [sflag:s23], $0x1  }
0xa4: {  	[sflag:s23] =	ssyncset.done $0x0  }
0xa5: {  	s25 =	simm.s32 $0x1B8E;
	s24 =	sld [smem:$0x3FFE];
	[sflag:s23] =	ssyncadd.s32 $0xFFFFFFFF  }
0xa6: {  	s26 =	simm.s32 $execute0_lowered;
	[smem:$0x3FD2] =	sst s25  }
0xa7: {  	s6 =	sshll.u32 s26, $0x1;
	_ =	strace $0x80000046;
	[dreg:$0x1] =	wrdreg $0xFFFFFFFF  }
0xa8: {  	s28 =	simm.s32 $_size_execute0_lowered;
	s4 =	sadd.s32 s4, s6;
	[dreg:$0x0] =	wrdreg $0x0  }
0xa9: {  	s6 =	sshll.u32 s28, $0x1;
	[dreg:$0x2] =	wrdreg s4  }
0xaa: {  	[dreg:$0x3] =	wrdreg s6  }
0xab: {  	[dreg:$0x4] =	wrdreg $0xC0  }
0xac: {  	_ =	task [dreg:s8], $0x5FFFF  }
0xad: {  	[dreg:$0x1] =	wrdreg $0xFFFFFFFF  }
0xae: {  	[dreg:$0x0] =	wrdreg $0x60  }
0xaf: {  	[dreg:$0x2] =	wrdreg s2  }
0xb0: {  	[dreg:$0x3] =	wrdreg s24  }
0xb1: {  	[dreg:$0x4] =	wrdreg s18  }
0xb2: {  	[dreg:$0x5] =	wrdreg $0x9  }
0xb3: {  	_ =	task.clear_ibuf [dreg:s8], $0x6FFFF;
	_ =	strace $0x90000046  }
0xb4: {  	s29 =	simm.s32 $0x9;
	_ =	strace $0x80000048  }
0xb5: {  	_ =	swait.ge [sflag:s29], $0x1  }
0xb6: {  	[sflag:s29] =	ssyncadd.s32 $0xFFFFFFFF  }
0xb7: {  	_ =	strace $0x90000048  }
0xb8: {  	_ =	sfence  }
0xb9: {  	s30 =	sld [smem:$0x0];
	_ =	sdelay $0x2  }
0xba: {  	s31 =	sshll.u32 s1, $0xD;
	s1 =	sshrl.u32 s1, $0x2  }
0xbb: {  	s3 =	sand.u32 $0x4000, s31;
	s1 =	sadd.s32 s1, s30  }
0xbc: {  	s0 =	sor.u32 s3, s0;
	s1 =	sshll.u32 s1, $0x11  }
0xbd: {  	s0 =	sor.u32 s1, s0  }
0xbe: {  	s0 =	sadd.s32 $0x8F2B, s0  }
0xbf: {  	[sflag:s0] =	ssyncadd.remote.s32 $0x1  }
0xc0: {  	_ =	sfence.sel $0xFFFF  }
0xc1: {  	[dreg:$0x0] =	wrdreg $0xFFFFFFFF;
	(pc) =	sbr.abs _section_cstart, $3  }
0xc2: {  	[dreg:$0x1] =	wrdreg $0xFFFFFFFF  }
0xc3: {  	_ =	task.clear_ibuf [dreg:s8], $0x2FFFF;
	_ =	strace $0x9FFFFFFF  }
0xc4: {  	(tm) =	ssettm $0x7FFFFFFF  }
0xc5: {  	_ =	shalt  }
tec
execute0_lowered:
.L_overlay_start_1:
0x0: {  	(tag) =	ssettag $0x1  }
0x1: {  	s2 =	rddreg [dreg:$0x0]  }
0x2: {  	s0 =	rddreg [dreg:$0x1];
	s1 =	srdreg.scid  }
0x3: {  	s3 =	rddreg [dreg:$0x2];
	s13 =	stileid.u32  }
0x4: {  	s4 =	simm.s32 $0x0;
	s18 =	simm.s32 $0x2000;
	s14 =	simm.s32 $0x100  }
0x5: {  	s16 =	simm.s32 $0x400;
	s21 =	simm.s32 $0x7;
	s23 =	simm.s32 $0x8  }
0x6: {  	s15 =	simm.s32 $0x0;
	s19 =	simm.s32 $0x6000;
	s20 =	simm.s32 $0xA000  }
0x7: {  	s28 =	simm.s32 $0xE000;
	s1 =	sand.u32 $0x1, s1;
	s5 =	sshll.u32 s13, $0xB  }
0x8: {  	[smem:$0x7FF] =	sst s4;
	s7 =	sadd.s32 $0x800, s2;
	s8 =	sadd.s32 $0xC00, s2  }
0x9: {  	s9 =	sadd.s32 $0x1000, s2;
	s10 =	sadd.s32 $0x1400, s2;
	s11 =	sadd.s32 $0x1800, s2  }
0xa: {  	s12 =	sadd.s32 $0x1C00, s2;
	s29 =	sshll.u32 s13, $0x15;
	s13 =	sshll.u32 s13, $0x12  }
0xb: {  	s6 =	sshll.u32 s1, $0xA;
	s24 =	ssub.s32 $0x2, s1;
	_ =	strace $0x80000047  }
0xc: {  	s30 =	sshll.u32 s1, $0x14;
	s1 =	sshll.u32 s1, $0x11;
	s5 =	sor.u32 s6, s5  }
0xd: {  	s25 =	sshrl.u32 s24, $0x1;
	s6 =	sadd.s32 $0x400, s2;
	s31 =	sor.u32 s1, s13  }
.Ltmp0:
0xe: {  	s1 =	simm.s32 $0x6000;
	s0 =	sadd.s32 s5, s0;
	(pc) =	sbr.rel .LBB2_1-.Ltmp0, $4  }
0xf: {  	s5 =	ssub.s32 s24, s25;
	[dreg:$0x7] =	wrdreg s31;
	s0 =	sadd.s32 $0x400, s0  }
0x10: {  	v0 =	vlaneseq.u32;
	s13 =	simm.s32 $0xE000;
	s26 =	smax.u32 s5, $0x1;
	[dreg:$0x4] =	wrdreg s0  }
0x11: {  	v1 =	vshrl.u32 v0, $0x1;
	s24 =	simm.s32 $0x9;
	[dreg:$0x5] =	wrdreg s26;
	s0 =	sor.u32 s30, s29  }
0x12: {  	vm0 =	vmmov $0xffff;
	v0 =	vand.u32 $0x1, v0;
	v1 =	vmul.u32 $0x8, v1;
	s5 =	simm.s32 $0xA000;
	s26 =	simm.s32 $0xA;
	[dreg:$0x6] =	wrdreg s0  }
.LBB2_4:
0x13: {  	s0 =	simm.s32 $0xB  }
0x14: {  	_ =	swait.ge [sflag:s0], $0x4000  }
0x15: {  	[sflag:s0] =	ssyncset.done $0x0  }
0x16: {  	s30 =	simm.s32 $0xC;
	[sflag:s0] =	ssyncadd.s32 $0xFFFFC000  }
0x17: {  	_ =	swait.ge [sflag:s30], $0x4000  }
0x18: {  	[sflag:s30] =	ssyncset.done $0x0  }
0x19: {  	[sflag:s30] =	ssyncadd.s32 $0xFFFFC000  }
0x1a: {  	_ =	swait.ge [sflag:s21], $0x4000  }
0x1b: {  	[sflag:s21] =	ssyncset.done $0x0  }
0x1c: {  	[sflag:s21] =	ssyncadd.s32 $0xFFFFC000  }
0x1d: {  	_ =	swait.ge [sflag:s23], $0x4000  }
0x1e: {  	[sflag:s23] =	ssyncset.done $0x0  }
0x1f: {  	[sflag:s23] =	ssyncadd.s32 $0xFFFFC000  }
0x20: {  	_ =	swait.ge [sflag:s24], $0x4000  }
0x21: {  	[sflag:s24] =	ssyncset.done $0x0  }
0x22: {  	[sflag:s24] =	ssyncadd.s32 $0xFFFFC000  }
0x23: {  	_ =	swait.ge [sflag:s26], $0x4000  }
0x24: {  	s15 =	rddreg [dreg:$0x8]  }
0x25: {  	s31 =	rddreg [dreg:$0x5];
	s15 =	sadd.s32 $0x1, s15  }
0x26: {  	p0 =	sne.s32 s15, s31  }
.Ltmp1:
0x27: {  	_ = 	snop;
	(pc) =	sbr.rel @!p0 .LBB2_5-.Ltmp1, $3  }
0x28: {  	_ =	sdelay $0x1  }
0x29: {  	s1 =	simm.s32 $0x6000;
	[sflag:s26] =	ssyncset.done $0x0  }
0x2a: {  	s5 =	simm.s32 $0xA000;
	s13 =	simm.s32 $0xE000;
	[sflag:s26] =	ssyncadd.s32 $0xFFFFC000  }
.LBB2_1:
0x2b: {  	[dreg:$0x8] =	wrdreg s15  }
0x2c: {  	s0 =	rddreg [dreg:$0x4];
	s22 =	simm.s32 $0xD  }
0x2d: {  	[tilespmem:s4], [sflag:$0xD] =	stream.linear.gather [hbm4b:s0+s4], $0x2000, $0x38;
	[tilespmem:$0x1A000] =	vst v63  }
0x2e: {  	_ =	swait.ge [sflag:s22], $0x2000  }
0x2f: {  	[sflag:s22] =	ssyncset.done $0x0  }
0x30: {  	[sflag:s22] =	ssyncadd.s32 $0xFFFFE000  }
0x31: {  	v2 =	vld.msk [tilespmem:$0x0], $0x3;
	_ =	sdelay $0x4  }
0x32: {  	v3 =	vshll.u32 v2, $0x6  }
0x33: {  	v2 =	vand.u32 $0x7, v2;
	v3 =	vand.u32 $0xFFFFFE00, v3  }
0x34: {  	v2 =	vor.u32 v2, v3  }
0x35: {  	v2 =	vperm.xlane v2, v0;
	_ =	sdelay $0x1  }
0x36: {  	v2 =	vadd.s32 v1, v2;
	_ =	sdelay $0x4  }
0x37: {  	[tilespmem:s18], [sflag:$0x1] =	stream.indirect_vreg.gather [hbm4b:s2+s4], $0x80, v2, vm0, $0xb8;
	[tilespmem:$0x1A000] =	vst v63  }
0x38: {  	s25 =	simm.s32 $0x2800  }
0x39: {  	[tilespmem:s25], [sflag:$0x1] =	stream.indirect_vreg.gather [hbm4b:s6+s4], $0x80, v2, vm0, $0xb8;
	[tilespmem:$0x1A000] =	vst v63  }
0x3a: {  	s29 =	simm.s32 $0x3000  }
0x3b: {  	[tilespmem:s29], [sflag:$0x1] =	stream.indirect_vreg.gather [hbm4b:s7+s4], $0x80, v2, vm0, $0xb8;
	[tilespmem:$0x1A000] =	vst v63  }
0x3c: {  	s15 =	simm.s32 $0x3800  }
0x3d: {  	[tilespmem:s15], [sflag:$0x1] =	stream.indirect_vreg.gather [hbm4b:s8+s4], $0x80, v2, vm0, $0xb8;
	[tilespmem:$0x1A000] =	vst v63  }
0x3e: {  	s17 =	simm.s32 $0x4000  }
0x3f: {  	[tilespmem:s17], [sflag:$0x1] =	stream.indirect_vreg.gather [hbm4b:s9+s4], $0x80, v2, vm0, $0xb8;
	[tilespmem:$0x1A000] =	vst v63  }
0x40: {  	s22 =	simm.s32 $0x4800  }
0x41: {  	[tilespmem:s22], [sflag:$0x1] =	stream.indirect_vreg.gather [hbm4b:s10+s4], $0x80, v2, vm0, $0xb8;
	[tilespmem:$0x1A000] =	vst v63  }
0x42: {  	s25 =	simm.s32 $0x5000  }
0x43: {  	[tilespmem:s25], [sflag:$0x1] =	stream.indirect_vreg.gather [hbm4b:s11+s4], $0x80, v2, vm0, $0xb8;
	[tilespmem:$0x1A000] =	vst v63  }
0x44: {  	s29 =	simm.s32 $0x5800  }
0x45: {  	[tilespmem:s29], [sflag:$0x1] =	stream.indirect_vreg.gather [hbm4b:s12+s4], $0x80, v2, vm0, $0xb8;
	[tilespmem:$0x1A000] =	vst v63  }
0x46: {  	v2 =	vld.msk [tilespmem:$0x80], $0x3;
	_ =	sdelay $0x4  }
0x47: {  	v3 =	vshll.u32 v2, $0x6  }
0x48: {  	v2 =	vand.u32 $0x7, v2;
	v3 =	vand.u32 $0xFFFFFE00, v3  }
0x49: {  	v2 =	vor.u32 v2, v3  }
0x4a: {  	v2 =	vperm.xlane v2, v0;
	_ =	sdelay $0x1  }
0x4b: {  	v2 =	vadd.s32 v1, v2;
	_ =	sdelay $0x4  }
0x4c: {  	[tilespmem:s1], [sflag:$0x2] =	stream.indirect_vreg.gather [hbm4b:s2+s4], $0x80, v2, vm0, $0xb8;
	[tilespmem:$0x1A000] =	vst v63  }
0x4d: {  	s1 =	simm.s32 $0x6800  }
0x4e: {  	[tilespmem:s1], [sflag:$0x2] =	stream.indirect_vreg.gather [hbm4b:s6+s4], $0x80, v2, vm0, $0xb8;
	[tilespmem:$0x1A000] =	vst v63  }
0x4f: {  	s15 =	simm.s32 $0x7000  }
0x50: {  	[tilespmem:s15], [sflag:$0x2] =	stream.indirect_vreg.gather [hbm4b:s7+s4], $0x80, v2, vm0, $0xb8;
	[tilespmem:$0x1A000] =	vst v63  }
0x51: {  	s17 =	simm.s32 $0x7800  }
0x52: {  	[tilespmem:s17], [sflag:$0x2] =	stream.indirect_vreg.gather [hbm4b:s8+s4], $0x80, v2, vm0, $0xb8;
	[tilespmem:$0x1A000] =	vst v63  }
0x53: {  	s22 =	simm.s32 $0x8000  }
0x54: {  	[tilespmem:s22], [sflag:$0x2] =	stream.indirect_vreg.gather [hbm4b:s9+s4], $0x80, v2, vm0, $0xb8;
	[tilespmem:$0x1A000] =	vst v63  }
0x55: {  	s25 =	simm.s32 $0x8800  }
0x56: {  	[tilespmem:s25], [sflag:$0x2] =	stream.indirect_vreg.gather [hbm4b:s10+s4], $0x80, v2, vm0, $0xb8;
	[tilespmem:$0x1A000] =	vst v63  }
0x57: {  	s29 =	simm.s32 $0x9000  }
0x58: {  	[tilespmem:s29], [sflag:$0x2] =	stream.indirect_vreg.gather [hbm4b:s11+s4], $0x80, v2, vm0, $0xb8;
	[tilespmem:$0x1A000] =	vst v63  }
0x59: {  	s1 =	simm.s32 $0x9800  }
0x5a: {  	[tilespmem:s1], [sflag:$0x2] =	stream.indirect_vreg.gather [hbm4b:s12+s4], $0x80, v2, vm0, $0xb8;
	[tilespmem:$0x1A000] =	vst v63  }
0x5b: {  	v2 =	vld.msk [tilespmem:$0x100], $0x3;
	_ =	sdelay $0x4  }
0x5c: {  	v3 =	vshll.u32 v2, $0x6  }
0x5d: {  	v2 =	vand.u32 $0x7, v2;
	v3 =	vand.u32 $0xFFFFFE00, v3  }
0x5e: {  	v2 =	vor.u32 v2, v3  }
0x5f: {  	v2 =	vperm.xlane v2, v0;
	_ =	sdelay $0x1  }
0x60: {  	v2 =	vadd.s32 v1, v2;
	_ =	sdelay $0x4  }
0x61: {  	[tilespmem:s5], [sflag:$0x3] =	stream.indirect_vreg.gather [hbm4b:s2+s4], $0x80, v2, vm0, $0xb8;
	[tilespmem:$0x1A000] =	vst v63  }
0x62: {  	s5 =	simm.s32 $0xA800  }
0x63: {  	[tilespmem:s5], [sflag:$0x3] =	stream.indirect_vreg.gather [hbm4b:s6+s4], $0x80, v2, vm0, $0xb8;
	[tilespmem:$0x1A000] =	vst v63  }
0x64: {  	s15 =	simm.s32 $0xB000  }
0x65: {  	[tilespmem:s15], [sflag:$0x3] =	stream.indirect_vreg.gather [hbm4b:s7+s4], $0x80, v2, vm0, $0xb8;
	[tilespmem:$0x1A000] =	vst v63  }
0x66: {  	s17 =	simm.s32 $0xB800  }
0x67: {  	[tilespmem:s17], [sflag:$0x3] =	stream.indirect_vreg.gather [hbm4b:s8+s4], $0x80, v2, vm0, $0xb8;
	[tilespmem:$0x1A000] =	vst v63  }
0x68: {  	s22 =	simm.s32 $0xC000  }
0x69: {  	[tilespmem:s22], [sflag:$0x3] =	stream.indirect_vreg.gather [hbm4b:s9+s4], $0x80, v2, vm0, $0xb8;
	[tilespmem:$0x1A000] =	vst v63  }
0x6a: {  	s25 =	simm.s32 $0xC800  }
0x6b: {  	[tilespmem:s25], [sflag:$0x3] =	stream.indirect_vreg.gather [hbm4b:s10+s4], $0x80, v2, vm0, $0xb8;
	[tilespmem:$0x1A000] =	vst v63  }
0x6c: {  	s29 =	simm.s32 $0xD000  }
0x6d: {  	[tilespmem:s29], [sflag:$0x3] =	stream.indirect_vreg.gather [hbm4b:s11+s4], $0x80, v2, vm0, $0xb8;
	[tilespmem:$0x1A000] =	vst v63  }
0x6e: {  	s1 =	simm.s32 $0xD800  }
0x6f: {  	[tilespmem:s1], [sflag:$0x3] =	stream.indirect_vreg.gather [hbm4b:s12+s4], $0x80, v2, vm0, $0xb8;
	[tilespmem:$0x1A000] =	vst v63  }
0x70: {  	v2 =	vld.msk [tilespmem:$0x180], $0x3;
	_ =	sdelay $0x4  }
0x71: {  	v3 =	vshll.u32 v2, $0x6  }
0x72: {  	v2 =	vand.u32 $0x7, v2;
	v3 =	vand.u32 $0xFFFFFE00, v3  }
0x73: {  	v2 =	vor.u32 v2, v3  }
0x74: {  	v2 =	vperm.xlane v2, v0;
	_ =	sdelay $0x1  }
0x75: {  	v2 =	vadd.s32 v1, v2;
	_ =	sdelay $0x4  }
0x76: {  	[tilespmem:s13], [sflag:$0x4] =	stream.indirect_vreg.gather [hbm4b:s2+s4], $0x80, v2, vm0, $0xb8;
	[tilespmem:$0x1A000] =	vst v63  }
0x77: {  	s5 =	simm.s32 $0xE800  }
0x78: {  	[tilespmem:s5], [sflag:$0x4] =	stream.indirect_vreg.gather [hbm4b:s6+s4], $0x80, v2, vm0, $0xb8;
	[tilespmem:$0x1A000] =	vst v63  }
0x79: {  	s13 =	simm.s32 $0xF000  }
0x7a: {  	[tilespmem:s13], [sflag:$0x4] =	stream.indirect_vreg.gather [hbm4b:s7+s4], $0x80, v2, vm0, $0xb8;
	[tilespmem:$0x1A000] =	vst v63  }
0x7b: {  	s15 =	simm.s32 $0xF800  }
0x7c: {  	[tilespmem:s15], [sflag:$0x4] =	stream.indirect_vreg.gather [hbm4b:s8+s4], $0x80, v2, vm0, $0xb8;
	[tilespmem:$0x1A000] =	vst v63  }
0x7d: {  	s17 =	simm.s32 $0x10000  }
0x7e: {  	[tilespmem:s17], [sflag:$0x4] =	stream.indirect_vreg.gather [hbm4b:s9+s4], $0x80, v2, vm0, $0xb8;
	[tilespmem:$0x1A000] =	vst v63  }
0x7f: {  	s22 =	simm.s32 $0x10800  }
0x80: {  	[tilespmem:s22], [sflag:$0x4] =	stream.indirect_vreg.gather [hbm4b:s10+s4], $0x80, v2, vm0, $0xb8;
	[tilespmem:$0x1A000] =	vst v63  }
0x81: {  	s25 =	simm.s32 $0x11000  }
0x82: {  	[tilespmem:s25], [sflag:$0x4] =	stream.indirect_vreg.gather [hbm4b:s11+s4], $0x80, v2, vm0, $0xb8;
	[tilespmem:$0x1A000] =	vst v63  }
0x83: {  	s29 =	simm.s32 $0x11800  }
0x84: {  	[tilespmem:s29], [sflag:$0x4] =	stream.indirect_vreg.gather [hbm4b:s12+s4], $0x80, v2, vm0, $0xb8;
	[tilespmem:$0x1A000] =	vst v63  }
0x85: {  	v2 =	vld.msk [tilespmem:$0x200], $0x3;
	_ =	sdelay $0x4  }
0x86: {  	v3 =	vshll.u32 v2, $0x6  }
0x87: {  	v2 =	vand.u32 $0x7, v2;
	v3 =	vand.u32 $0xFFFFFE00, v3  }
0x88: {  	v2 =	vor.u32 v2, v3  }
0x89: {  	v2 =	vperm.xlane v2, v0;
	_ =	sdelay $0x1  }
0x8a: {  	v2 =	vadd.s32 v1, v2;
	_ =	sdelay $0x3  }
0x8b: {  	s1 =	simm.s32 $0x12000  }
0x8c: {  	[tilespmem:s1], [sflag:$0x5] =	stream.indirect_vreg.gather [hbm4b:s2+s4], $0x80, v2, vm0, $0xb8;
	[tilespmem:$0x1A000] =	vst v63  }
0x8d: {  	s5 =	simm.s32 $0x12800  }
0x8e: {  	[tilespmem:s5], [sflag:$0x5] =	stream.indirect_vreg.gather [hbm4b:s6+s4], $0x80, v2, vm0, $0xb8;
	[tilespmem:$0x1A000] =	vst v63  }
0x8f: {  	s13 =	simm.s32 $0x13000  }
0x90: {  	[tilespmem:s13], [sflag:$0x5] =	stream.indirect_vreg.gather [hbm4b:s7+s4], $0x80, v2, vm0, $0xb8;
	[tilespmem:$0x1A000] =	vst v63  }
0x91: {  	s15 =	simm.s32 $0x13800  }
0x92: {  	[tilespmem:s15], [sflag:$0x5] =	stream.indirect_vreg.gather [hbm4b:s8+s4], $0x80, v2, vm0, $0xb8;
	[tilespmem:$0x1A000] =	vst v63  }
0x93: {  	s17 =	simm.s32 $0x14000  }
0x94: {  	[tilespmem:s17], [sflag:$0x5] =	stream.indirect_vreg.gather [hbm4b:s9+s4], $0x80, v2, vm0, $0xb8;
	[tilespmem:$0x1A000] =	vst v63  }
0x95: {  	s22 =	simm.s32 $0x14800  }
0x96: {  	[tilespmem:s22], [sflag:$0x5] =	stream.indirect_vreg.gather [hbm4b:s10+s4], $0x80, v2, vm0, $0xb8;
	[tilespmem:$0x1A000] =	vst v63  }
0x97: {  	s25 =	simm.s32 $0x15000  }
0x98: {  	[tilespmem:s25], [sflag:$0x5] =	stream.indirect_vreg.gather [hbm4b:s11+s4], $0x80, v2, vm0, $0xb8;
	[tilespmem:$0x1A000] =	vst v63  }
0x99: {  	s29 =	simm.s32 $0x15800  }
0x9a: {  	[tilespmem:s29], [sflag:$0x5] =	stream.indirect_vreg.gather [hbm4b:s12+s4], $0x80, v2, vm0, $0xb8;
	[tilespmem:$0x1A000] =	vst v63  }
0x9b: {  	v2 =	vld.msk [tilespmem:$0x280], $0x3;
	_ =	sdelay $0x4  }
0x9c: {  	v3 =	vshll.u32 v2, $0x6  }
0x9d: {  	v2 =	vand.u32 $0x7, v2;
	v3 =	vand.u32 $0xFFFFFE00, v3  }
0x9e: {  	v2 =	vor.u32 v2, v3  }
0x9f: {  	v2 =	vperm.xlane v2, v0;
	_ =	sdelay $0x1  }
0xa0: {  	v2 =	vadd.s32 v1, v2;
	_ =	sdelay $0x3  }
0xa1: {  	s1 =	simm.s32 $0x16000  }
0xa2: {  	[tilespmem:s1], [sflag:$0x6] =	stream.indirect_vreg.gather [hbm4b:s2+s4], $0x80, v2, vm0, $0xb8;
	[tilespmem:$0x1A000] =	vst v63  }
0xa3: {  	s5 =	simm.s32 $0x16800  }
0xa4: {  	[tilespmem:s5], [sflag:$0x6] =	stream.indirect_vreg.gather [hbm4b:s6+s4], $0x80, v2, vm0, $0xb8;
	[tilespmem:$0x1A000] =	vst v63  }
0xa5: {  	s13 =	simm.s32 $0x17000  }
0xa6: {  	[tilespmem:s13], [sflag:$0x6] =	stream.indirect_vreg.gather [hbm4b:s7+s4], $0x80, v2, vm0, $0xb8;
	[tilespmem:$0x1A000] =	vst v63  }
0xa7: {  	s15 =	simm.s32 $0x17800  }
0xa8: {  	[tilespmem:s15], [sflag:$0x6] =	stream.indirect_vreg.gather [hbm4b:s8+s4], $0x80, v2, vm0, $0xb8;
	[tilespmem:$0x1A000] =	vst v63  }
0xa9: {  	s30 =	simm.s32 $0xA0;
	s17 =	simm.s32 $0x18000  }
0xaa: {  	[tilespmem:s17], [sflag:$0x6] =	stream.indirect_vreg.gather [hbm4b:s9+s4], $0x80, v2, vm0, $0xb8;
	[tilespmem:$0x1A000] =	vst v63  }
0xab: {  	s31 =	simm.s32 $0x580;
	s0 =	simm.s32 $0x0;
	s22 =	simm.s32 $0x18800  }
0xac: {  	[tilespmem:s22], [sflag:$0x6] =	stream.indirect_vreg.gather [hbm4b:s10+s4], $0x80, v2, vm0, $0xb8;
	[tilespmem:$0x1A000] =	vst v63  }
0xad: {  	s25 =	simm.s32 $0x19000;
	s29 =	simm.s32 $0x19800;
	s1 =	rddreg [dreg:$0x6]  }
0xae: {  	[tilespmem:s25], [sflag:$0x6] =	stream.indirect_vreg.gather [hbm4b:s11+s4], $0x80, v2, vm0, $0xb8;
	[tilespmem:$0x1A000] =	vst v63  }
0xaf: {  	s15 =	simm.s32 $0x0;
	s17 =	simm.s32 $0x0;
	s25 =	simm.s32 $0x0  }
0xb0: {  	[tilespmem:s29], [sflag:$0x6] =	stream.indirect_vreg.gather [hbm4b:s12+s4], $0x80, v2, vm0, $0xb8;
	[tilespmem:$0x1A000] =	vst v63  }
.LBB2_2:
0xb1: {  	s29 =	simm.s32 $0x1  }
0xb2: {  	_ =	swait.ge [sflag:s29], $0x4000  }
0xb3: {  	s5 =	rddreg [dreg:$0x7]  }
0xb4: {  	s22 =	sand.u32 $0x40, s0;
	s5 =	sadd.s32 s17, s5  }
0xb5: {  	s22 =	sadd.s32 s3, s22;
	[sflag:s29] =	ssyncset.done $0x0;
	s13 =	sand.u32 $0xFFFE000, s5  }
0xb6: {  	[sflag:s29] =	ssyncadd.s32 $0xFFFFC000;
	s13 =	sadd.s32 s13, s22  }
0xb7: {  	[hbm4b:s13+s14] =	stream.strided.scatter [tilespmem:s18], [sflag:$0x7], $0x4000, s16, s14, $0x38;
	[tilespmem:$0x1A000] =	vst v63  }
0xb8: {  	s29 =	sand.u32 $0x200, s15;
	s18 =	sand.u32 $0x3FF0000, s1  }
0xb9: {  	s13 =	sor.u32 s18, s29;
	s29 =	simm.s32 $0x2  }
0xba: {  	_ =	swait.ge [sflag:s29], $0x4000;
	s13 =	sshrl.u32 s13, $0x3  }
0xbb: {  	[sflag:s29] =	ssyncset.done $0x0;
	s13 =	sadd.s32 s13, s3  }
0xbc: {  	[sflag:s29] =	ssyncadd.s32 $0xFFFFC000;
	s13 =	sadd.s32 $0x20, s13  }
0xbd: {  	[hbm4b:s13+s14] =	stream.strided.scatter [tilespmem:s19], [sflag:$0x8], $0x4000, s16, s14, $0x38;
	[tilespmem:$0x1A000] =	vst v63  }
0xbe: {  	s29 =	simm.s32 $0x3;
	s13 =	sadd.s32 $0xFFFFFFA0, s30  }
0xbf: {  	s18 =	sadd.s32 $0x1000, s5;
	_ =	swait.ge [sflag:s29], $0x4000;
	s13 =	sand.u32 $0x40, s13  }
0xc0: {  	s18 =	sand.u32 $0x7FE000, s18;
	[sflag:s29] =	ssyncset.done $0x0;
	s13 =	sadd.s32 s3, s13  }
0xc1: {  	p0 =	seq.s32 s17, $0x1E000;
	[sflag:s29] =	ssyncadd.s32 $0xFFFFC000;
	s13 =	sadd.s32 s18, s13  }
0xc2: {  	[hbm4b:s13+s14] =	stream.strided.scatter [tilespmem:s20], [sflag:$0x9], $0x4000, s16, s14, $0x38;
	[tilespmem:$0x1A000] =	vst v63  }
.Ltmp2:
0xc3: {  	s29 =	simm.s32 $0x4;
	s13 =	sadd.s32 $0xFFFFFFC0, s30;
	(pc) =	sbr.rel @p0 .LBB2_4-.Ltmp2, $4  }
0xc4: {  	s18 =	sadd.s32 $0x1800, s5;
	_ =	swait.ge [sflag:s29], $0x4000;
	s13 =	sand.u32 $0x60, s13  }
0xc5: {  	s18 =	sand.u32 $0x7FE000, s18;
	[sflag:s29] =	ssyncset.done $0x0;
	s13 =	sadd.s32 s3, s13  }
0xc6: {  	[sflag:s29] =	ssyncadd.s32 $0xFFFFC000;
	s13 =	sadd.s32 s18, s13;
	s18 =	simm.s32 $0x2000  }
0xc7: {  	[hbm4b:s13+s14] =	stream.strided.scatter [tilespmem:s28], [sflag:$0xA], $0x4000, s16, s14, $0x38;
	[tilespmem:$0x1A000] =	vst v63  }
0xc8: {  	s29 =	simm.s32 $0x5;
	s13 =	sadd.s32 $0x2000, s5  }
0xc9: {  	_ =	swait.ge [sflag:s29], $0x4000;
	s13 =	sand.u32 $0xFFFE000, s13  }
0xca: {  	[sflag:s29] =	ssyncset.done $0x0;
	s13 =	sadd.s32 s13, s22  }
0xcb: {  	s22 =	simm.s32 $0x6;
	[sflag:s29] =	ssyncadd.s32 $0xFFFFC000;
	s29 =	simm.s32 $0x12000  }
0xcc: {  	[hbm4b:s13+s14] =	stream.strided.scatter [tilespmem:s29], [sflag:$0xB], $0x4000, s16, s14, $0x38;
	[tilespmem:$0x1A000] =	vst v63  }
0xcd: {  	s13 =	sadd.s32 $0x2800, s5;
	s29 =	sand.u32 $0x60, s30;
	_ =	swait.ge [sflag:s22], $0x4000  }
0xce: {  	s5 =	sand.u32 $0x7FE000, s13;
	s13 =	sadd.s32 s3, s29;
	[sflag:s22] =	ssyncset.done $0x0  }
0xcf: {  	s5 =	sadd.s32 s5, s13;
	[sflag:s22] =	ssyncadd.s32 $0xFFFFC000;
	s22 =	simm.s32 $0x16000  }
0xd0: {  	[hbm4b:s5+s14] =	stream.strided.scatter [tilespmem:s22], [sflag:$0xC], $0x4000, s16, s14, $0x38;
	[tilespmem:$0x1A000] =	vst v63  }
0xd1: {  	_ =	swait.ge [sflag:s21], $0x4000  }
0xd2: {  	[sflag:s21] =	ssyncset.done $0x0  }
0xd3: {  	[sflag:s21] =	ssyncadd.s32 $0xFFFFC000  }
0xd4: {  	v2 =	vld.msk [tilespmem:s31+$0xFFFFFD80], $0x3;
	_ =	sdelay $0x4  }
0xd5: {  	v3 =	vshll.u32 v2, $0x6  }
0xd6: {  	v2 =	vand.u32 $0x7, v2;
	v3 =	vand.u32 $0xFFFFFE00, v3  }
0xd7: {  	v2 =	vor.u32 v2, v3  }
0xd8: {  	v2 =	vperm.xlane v2, v0;
	_ =	sdelay $0x1  }
0xd9: {  	v2 =	vadd.s32 v1, v2;
	_ =	sdelay $0x4  }
0xda: {  	[tilespmem:s18], [sflag:$0x1] =	stream.indirect_vreg.gather [hbm4b:s2+s4], $0x80, v2, vm0, $0xb8;
	[tilespmem:$0x1A000] =	vst v63  }
0xdb: {  	s29 =	simm.s32 $0x2800  }
0xdc: {  	[tilespmem:s29], [sflag:$0x1] =	stream.indirect_vreg.gather [hbm4b:s6+s4], $0x80, v2, vm0, $0xb8;
	[tilespmem:$0x1A000] =	vst v63  }
0xdd: {  	s13 =	simm.s32 $0x3000  }
0xde: {  	[tilespmem:s13], [sflag:$0x1] =	stream.indirect_vreg.gather [hbm4b:s7+s4], $0x80, v2, vm0, $0xb8;
	[tilespmem:$0x1A000] =	vst v63  }
0xdf: {  	s22 =	simm.s32 $0x3800  }
0xe0: {  	[tilespmem:s22], [sflag:$0x1] =	stream.indirect_vreg.gather [hbm4b:s8+s4], $0x80, v2, vm0, $0xb8;
	[tilespmem:$0x1A000] =	vst v63  }
0xe1: {  	s29 =	simm.s32 $0x4000  }
0xe2: {  	[tilespmem:s29], [sflag:$0x1] =	stream.indirect_vreg.gather [hbm4b:s9+s4], $0x80, v2, vm0, $0xb8;
	[tilespmem:$0x1A000] =	vst v63  }
0xe3: {  	s13 =	simm.s32 $0x4800  }
0xe4: {  	[tilespmem:s13], [sflag:$0x1] =	stream.indirect_vreg.gather [hbm4b:s10+s4], $0x80, v2, vm0, $0xb8;
	[tilespmem:$0x1A000] =	vst v63  }
0xe5: {  	s22 =	simm.s32 $0x5000  }
0xe6: {  	[tilespmem:s22], [sflag:$0x1] =	stream.indirect_vreg.gather [hbm4b:s11+s4], $0x80, v2, vm0, $0xb8;
	[tilespmem:$0x1A000] =	vst v63  }
0xe7: {  	s29 =	simm.s32 $0x5800  }
0xe8: {  	[tilespmem:s29], [sflag:$0x1] =	stream.indirect_vreg.gather [hbm4b:s12+s4], $0x80, v2, vm0, $0xb8;
	[tilespmem:$0x1A000] =	vst v63  }
0xe9: {  	_ =	swait.ge [sflag:s23], $0x4000  }
0xea: {  	[sflag:s23] =	ssyncset.done $0x0  }
0xeb: {  	[sflag:s23] =	ssyncadd.s32 $0xFFFFC000  }
0xec: {  	v2 =	vld.msk [tilespmem:s31+$0xFFFFFE00], $0x3;
	_ =	sdelay $0x4  }
0xed: {  	v3 =	vshll.u32 v2, $0x6  }
0xee: {  	v2 =	vand.u32 $0x7, v2;
	v3 =	vand.u32 $0xFFFFFE00, v3  }
0xef: {  	v2 =	vor.u32 v2, v3  }
0xf0: {  	v2 =	vperm.xlane v2, v0;
	_ =	sdelay $0x1  }
0xf1: {  	v2 =	vadd.s32 v1, v2;
	_ =	sdelay $0x4  }
0xf2: {  	[tilespmem:s19], [sflag:$0x2] =	stream.indirect_vreg.gather [hbm4b:s2+s4], $0x80, v2, vm0, $0xb8;
	[tilespmem:$0x1A000] =	vst v63  }
0xf3: {  	s13 =	simm.s32 $0x6800  }
0xf4: {  	[tilespmem:s13], [sflag:$0x2] =	stream.indirect_vreg.gather [hbm4b:s6+s4], $0x80, v2, vm0, $0xb8;
	[tilespmem:$0x1A000] =	vst v63  }
0xf5: {  	s22 =	simm.s32 $0x7000  }
0xf6: {  	[tilespmem:s22], [sflag:$0x2] =	stream.indirect_vreg.gather [hbm4b:s7+s4], $0x80, v2, vm0, $0xb8;
	[tilespmem:$0x1A000] =	vst v63  }
0xf7: {  	s29 =	simm.s32 $0x7800  }
0xf8: {  	[tilespmem:s29], [sflag:$0x2] =	stream.indirect_vreg.gather [hbm4b:s8+s4], $0x80, v2, vm0, $0xb8;
	[tilespmem:$0x1A000] =	vst v63  }
0xf9: {  	s13 =	simm.s32 $0x8000  }
0xfa: {  	[tilespmem:s13], [sflag:$0x2] =	stream.indirect_vreg.gather [hbm4b:s9+s4], $0x80, v2, vm0, $0xb8;
	[tilespmem:$0x1A000] =	vst v63  }
0xfb: {  	s22 =	simm.s32 $0x8800  }
0xfc: {  	[tilespmem:s22], [sflag:$0x2] =	stream.indirect_vreg.gather [hbm4b:s10+s4], $0x80, v2, vm0, $0xb8;
	[tilespmem:$0x1A000] =	vst v63  }
0xfd: {  	s29 =	simm.s32 $0x9000  }
0xfe: {  	[tilespmem:s29], [sflag:$0x2] =	stream.indirect_vreg.gather [hbm4b:s11+s4], $0x80, v2, vm0, $0xb8;
	[tilespmem:$0x1A000] =	vst v63  }
0xff: {  	s13 =	simm.s32 $0x9800  }
0x100: {  	[tilespmem:s13], [sflag:$0x2] =	stream.indirect_vreg.gather [hbm4b:s12+s4], $0x80, v2, vm0, $0xb8;
	[tilespmem:$0x1A000] =	vst v63  }
0x101: {  	_ =	swait.ge [sflag:s24], $0x4000  }
0x102: {  	[sflag:s24] =	ssyncset.done $0x0  }
0x103: {  	[sflag:s24] =	ssyncadd.s32 $0xFFFFC000  }
0x104: {  	v2 =	vld.msk [tilespmem:s31+$0xFFFFFE80], $0x3;
	_ =	sdelay $0x4  }
0x105: {  	v3 =	vshll.u32 v2, $0x6  }
0x106: {  	v2 =	vand.u32 $0x7, v2;
	v3 =	vand.u32 $0xFFFFFE00, v3  }
0x107: {  	v2 =	vor.u32 v2, v3  }
0x108: {  	v2 =	vperm.xlane v2, v0;
	_ =	sdelay $0x1  }
0x109: {  	v2 =	vadd.s32 v1, v2;
	_ =	sdelay $0x4  }
0x10a: {  	[tilespmem:s20], [sflag:$0x3] =	stream.indirect_vreg.gather [hbm4b:s2+s4], $0x80, v2, vm0, $0xb8;
	[tilespmem:$0x1A000] =	vst v63  }
0x10b: {  	s22 =	simm.s32 $0xA800  }
0x10c: {  	[tilespmem:s22], [sflag:$0x3] =	stream.indirect_vreg.gather [hbm4b:s6+s4], $0x80, v2, vm0, $0xb8;
	[tilespmem:$0x1A000] =	vst v63  }
0x10d: {  	s29 =	simm.s32 $0xB000  }
0x10e: {  	[tilespmem:s29], [sflag:$0x3] =	stream.indirect_vreg.gather [hbm4b:s7+s4], $0x80, v2, vm0, $0xb8;
	[tilespmem:$0x1A000] =	vst v63  }
0x10f: {  	s13 =	simm.s32 $0xB800  }
0x110: {  	[tilespmem:s13], [sflag:$0x3] =	stream.indirect_vreg.gather [hbm4b:s8+s4], $0x80, v2, vm0, $0xb8;
	[tilespmem:$0x1A000] =	vst v63  }
0x111: {  	s22 =	simm.s32 $0xC000  }
0x112: {  	[tilespmem:s22], [sflag:$0x3] =	stream.indirect_vreg.gather [hbm4b:s9+s4], $0x80, v2, vm0, $0xb8;
	[tilespmem:$0x1A000] =	vst v63  }
0x113: {  	s29 =	simm.s32 $0xC800  }
0x114: {  	[tilespmem:s29], [sflag:$0x3] =	stream.indirect_vreg.gather [hbm4b:s10+s4], $0x80, v2, vm0, $0xb8;
	[tilespmem:$0x1A000] =	vst v63  }
0x115: {  	s13 =	simm.s32 $0xD000  }
0x116: {  	[tilespmem:s13], [sflag:$0x3] =	stream.indirect_vreg.gather [hbm4b:s11+s4], $0x80, v2, vm0, $0xb8;
	[tilespmem:$0x1A000] =	vst v63  }
0x117: {  	s22 =	simm.s32 $0xD800  }
0x118: {  	[tilespmem:s22], [sflag:$0x3] =	stream.indirect_vreg.gather [hbm4b:s12+s4], $0x80, v2, vm0, $0xb8;
	[tilespmem:$0x1A000] =	vst v63  }
0x119: {  	_ =	swait.ge [sflag:s26], $0x4000  }
0x11a: {  	[sflag:s26] =	ssyncset.done $0x0  }
0x11b: {  	[sflag:s26] =	ssyncadd.s32 $0xFFFFC000  }
0x11c: {  	v2 =	vld.msk [tilespmem:s31+$0xFFFFFF00], $0x3;
	_ =	sdelay $0x4  }
0x11d: {  	v3 =	vshll.u32 v2, $0x6  }
0x11e: {  	v2 =	vand.u32 $0x7, v2;
	v3 =	vand.u32 $0xFFFFFE00, v3  }
0x11f: {  	v2 =	vor.u32 v2, v3  }
0x120: {  	v2 =	vperm.xlane v2, v0;
	_ =	sdelay $0x1  }
0x121: {  	v2 =	vadd.s32 v1, v2;
	_ =	sdelay $0x4  }
0x122: {  	[tilespmem:s28], [sflag:$0x4] =	stream.indirect_vreg.gather [hbm4b:s2+s4], $0x80, v2, vm0, $0xb8;
	[tilespmem:$0x1A000] =	vst v63  }
0x123: {  	s29 =	simm.s32 $0xE800  }
0x124: {  	[tilespmem:s29], [sflag:$0x4] =	stream.indirect_vreg.gather [hbm4b:s6+s4], $0x80, v2, vm0, $0xb8;
	[tilespmem:$0x1A000] =	vst v63  }
0x125: {  	s13 =	simm.s32 $0xF000  }
0x126: {  	[tilespmem:s13], [sflag:$0x4] =	stream.indirect_vreg.gather [hbm4b:s7+s4], $0x80, v2, vm0, $0xb8;
	[tilespmem:$0x1A000] =	vst v63  }
0x127: {  	s22 =	simm.s32 $0xF800  }
0x128: {  	[tilespmem:s22], [sflag:$0x4] =	stream.indirect_vreg.gather [hbm4b:s8+s4], $0x80, v2, vm0, $0xb8;
	[tilespmem:$0x1A000] =	vst v63  }
0x129: {  	s29 =	simm.s32 $0x10000  }
0x12a: {  	[tilespmem:s29], [sflag:$0x4] =	stream.indirect_vreg.gather [hbm4b:s9+s4], $0x80, v2, vm0, $0xb8;
	[tilespmem:$0x1A000] =	vst v63  }
0x12b: {  	s13 =	simm.s32 $0x10800  }
0x12c: {  	[tilespmem:s13], [sflag:$0x4] =	stream.indirect_vreg.gather [hbm4b:s10+s4], $0x80, v2, vm0, $0xb8;
	[tilespmem:$0x1A000] =	vst v63  }
0x12d: {  	p0 =	sgt.u32 s25, $0x8;
	s22 =	simm.s32 $0x11000  }
0x12e: {  	[tilespmem:s22], [sflag:$0x4] =	stream.indirect_vreg.gather [hbm4b:s11+s4], $0x80, v2, vm0, $0xb8;
	[tilespmem:$0x1A000] =	vst v63  }
0x12f: {  	s5 =	simm.s32 @!p0 $0xB;
	s29 =	simm.s32 $0x11800  }
0x130: {  	[tilespmem:s29], [sflag:$0x4] =	stream.indirect_vreg.gather [hbm4b:s12+s4], $0x80, v2, vm0, $0xb8;
	[tilespmem:$0x1A000] =	vst v63  }
0x131: {  	_ =	swait.ge @!p0 [sflag:s5], $0x4000  }
0x132: {  	[sflag:s5] =	ssyncset.done @!p0 $0x0  }
0x133: {  	[sflag:s5] =	ssyncadd.s32 @!p0 $0xFFFFC000  }
0x134: {  	v2 =	vld.msk @!p0 [tilespmem:s31+$0xFFFFFF80], $0x3;
	_ =	sdelay $0x4  }
0x135: {  	v3 =	vshll.u32 @!p0 v2, $0x6  }
0x136: {  	v4 =	vlaneseq.u32 @!p0;
	v2 =	vand.u32 @!p0 $0x7, v2;
	v3 =	vand.u32 @!p0 $0xFFFFFE00, v3  }
0x137: {  	v2 =	vor.u32 @!p0 v2, v3;
	v3 =	vand.u32 @!p0 $0x1, v4;
	v4 =	vshrl.u32 @!p0 v4, $0x1  }
0x138: {  	v2 =	vperm.xlane @!p0 v2, v3;
	v4 =	vmul.u32 @!p0 $0x8, v4;
	_ =	sdelay $0x1  }
0x139: {  	v2 =	vadd.s32 @!p0 v4, v2;
	_ =	sdelay $0x3  }
0x13a: {  	vm1 =	vmmov @!p0 $0xffff;
	s13 =	simm.s32 @!p0 $0x12000;
	s5 =	simm.s32 @!p0 $0x0  }
0x13b: {  	[tilespmem:s13], [sflag:$0x5] =	stream.indirect_vreg.gather @!p0 [hbm4b:s2+s5], $0x80, v2, vm1, $0xb8;
	[tilespmem:$0x1A000] =	vst v63  }
0x13c: {  	s13 =	simm.s32 @!p0 $0x12800  }
0x13d: {  	[tilespmem:s13], [sflag:$0x5] =	stream.indirect_vreg.gather @!p0 [hbm4b:s6+s5], $0x80, v2, vm1, $0xb8;
	[tilespmem:$0x1A000] =	vst v63  }
0x13e: {  	s13 =	simm.s32 @!p0 $0x13000  }
0x13f: {  	[tilespmem:s13], [sflag:$0x5] =	stream.indirect_vreg.gather @!p0 [hbm4b:s7+s5], $0x80, v2, vm1, $0xb8;
	[tilespmem:$0x1A000] =	vst v63  }
0x140: {  	s13 =	simm.s32 @!p0 $0x13800  }
0x141: {  	[tilespmem:s13], [sflag:$0x5] =	stream.indirect_vreg.gather @!p0 [hbm4b:s8+s5], $0x80, v2, vm1, $0xb8;
	[tilespmem:$0x1A000] =	vst v63  }
0x142: {  	s13 =	simm.s32 @!p0 $0x14000  }
0x143: {  	[tilespmem:s13], [sflag:$0x5] =	stream.indirect_vreg.gather @!p0 [hbm4b:s9+s5], $0x80, v2, vm1, $0xb8;
	[tilespmem:$0x1A000] =	vst v63  }
0x144: {  	s13 =	simm.s32 @!p0 $0x14800  }
0x145: {  	[tilespmem:s13], [sflag:$0x5] =	stream.indirect_vreg.gather @!p0 [hbm4b:s10+s5], $0x80, v2, vm1, $0xb8;
	[tilespmem:$0x1A000] =	vst v63  }
0x146: {  	s13 =	simm.s32 @!p0 $0x15000  }
0x147: {  	[tilespmem:s13], [sflag:$0x5] =	stream.indirect_vreg.gather @!p0 [hbm4b:s11+s5], $0x80, v2, vm1, $0xb8;
	[tilespmem:$0x1A000] =	vst v63  }
0x148: {  	s13 =	simm.s32 @!p0 $0x15800  }
0x149: {  	[tilespmem:s13], [sflag:$0x5] =	stream.indirect_vreg.gather @!p0 [hbm4b:s12+s5], $0x80, v2, vm1, $0xb8;
	[tilespmem:$0x1A000] =	vst v63  }
0x14a: {  	s13 =	simm.s32 @!p0 $0xC  }
0x14b: {  	_ =	swait.ge @!p0 [sflag:s13], $0x4000  }
0x14c: {  	[sflag:s13] =	ssyncset.done @!p0 $0x0  }
0x14d: {  	[sflag:s13] =	ssyncadd.s32 @!p0 $0xFFFFC000  }
0x14e: {  	v2 =	vld.msk @!p0 [tilespmem:s31+$0x0], $0x3;
	_ =	sdelay $0x4  }
0x14f: {  	v5 =	vshll.u32 @!p0 v2, $0x6  }
0x150: {  	v2 =	vand.u32 @!p0 $0x7, v2;
	v5 =	vand.u32 @!p0 $0xFFFFFE00, v5  }
0x151: {  	v2 =	vor.u32 @!p0 v2, v5  }
0x152: {  	v2 =	vperm.xlane @!p0 v2, v3;
	_ =	sdelay $0x1  }
0x153: {  	v2 =	vadd.s32 @!p0 v4, v2;
	_ =	sdelay $0x3  }
0x154: {  	s13 =	simm.s32 @!p0 $0x16000  }
0x155: {  	[tilespmem:s13], [sflag:$0x6] =	stream.indirect_vreg.gather @!p0 [hbm4b:s2+s5], $0x80, v2, vm1, $0xb8;
	[tilespmem:$0x1A000] =	vst v63  }
0x156: {  	s13 =	simm.s32 @!p0 $0x16800  }
0x157: {  	[tilespmem:s13], [sflag:$0x6] =	stream.indirect_vreg.gather @!p0 [hbm4b:s6+s5], $0x80, v2, vm1, $0xb8;
	[tilespmem:$0x1A000] =	vst v63  }
0x158: {  	s13 =	simm.s32 @!p0 $0x17000  }
0x159: {  	[tilespmem:s13], [sflag:$0x6] =	stream.indirect_vreg.gather @!p0 [hbm4b:s7+s5], $0x80, v2, vm1, $0xb8;
	[tilespmem:$0x1A000] =	vst v63  }
0x15a: {  	s13 =	simm.s32 @!p0 $0x17800  }
0x15b: {  	[tilespmem:s13], [sflag:$0x6] =	stream.indirect_vreg.gather @!p0 [hbm4b:s8+s5], $0x80, v2, vm1, $0xb8;
	[tilespmem:$0x1A000] =	vst v63  }
0x15c: {  	s13 =	simm.s32 @!p0 $0x18000  }
0x15d: {  	[tilespmem:s13], [sflag:$0x6] =	stream.indirect_vreg.gather @!p0 [hbm4b:s9+s5], $0x80, v2, vm1, $0xb8;
	[tilespmem:$0x1A000] =	vst v63  }
0x15e: {  	s13 =	simm.s32 @!p0 $0x18800  }
0x15f: {  	[tilespmem:s13], [sflag:$0x6] =	stream.indirect_vreg.gather @!p0 [hbm4b:s10+s5], $0x80, v2, vm1, $0xb8;
	[tilespmem:$0x1A000] =	vst v63  }
0x160: {  	s13 =	simm.s32 @!p0 $0x19000  }
0x161: {  	[tilespmem:s13], [sflag:$0x6] =	stream.indirect_vreg.gather @!p0 [hbm4b:s11+s5], $0x80, v2, vm1, $0xb8;
	[tilespmem:$0x1A000] =	vst v63  }
0x162: {  	s17 =	sadd.s32 $0x3000, s17;
	s13 =	simm.s32 @!p0 $0x19800  }
0x163: {  	[tilespmem:s13], [sflag:$0x6] =	stream.indirect_vreg.gather @!p0 [hbm4b:s12+s5], $0x80, v2, vm1, $0xb8;
	[tilespmem:$0x1A000] =	vst v63  }
0x164: {  	p0 =	sne.s32 s17, $0x21000  }
.Ltmp3:
0x165: {  	_ = 	snop;
	(pc) =	sbr.rel @p0 .LBB2_2-.Ltmp3, $4  }
.Ltmp4:
0x166: {  	_ = 	snop;
	(pc) =	sbr.rel @!p0 .LBB2_4-.Ltmp4, $4  }
0x167: {  	_ = 	snop  }
0x168: {  	s25 =	sadd.s32 $0x1, s25;
	s15 =	sadd.s32 $0x200, s15;
	s1 =	sadd.s32 $0x18000, s1  }
0x169: {  	s0 =	sadd.s32 $0x40, s0;
	s30 =	sadd.s32 $0xC0, s30;
	s31 =	sadd.s32 $0x300, s31  }
0x16a: {  	_ = 	snop  }
.LBB2_5:
0x16b: {  	_ =	sfence.sel $0x180000  }
0x16c: {  	[bflag:$0x0] =	sbarrier.arrive $0xFFFF  }
0x16d: {  	_ =	strace $0x90000047  }
0x16e: {  	s0 =	stileid.u32;
	[bflag:$0x2] =	sbarrier.arrive $0xFFFF  }
0x16f: {  	p0 =	sne.s32 s0, $0x0;
	s0 =	rddreg [dreg:$0x3]  }
0x170: {  	s0 =	sadd.s32 @!p0 $0x100000, s0  }
0x171: {  	[sflag:s0] =	ssyncadd.tile.s32 @!p0 $0x1;
	_ =	shalt  }
.Lfunc_end2:
_tile_overlayer_lowered:
.L_overlay_start_2:
0x172: {  	(tag) =	ssettag $0x2  }
0x173: {  	s0 =	rddreg [dreg:$0x0];
	s2 =	stileid.u32  }
0x174: {  	s1 =	rddreg [dreg:$0x1];
	p0 =	sne.s32 s2, $0x0  }
0x175: {  	s3 =	rddreg [dreg:$0x2];
	[bflag:$0x3] =	sbarrier.arrive $0xFFFF;
	s2 =	simm.s32 @!p0 $0x1C0D  }
0x176: {  	[timem:s3], [sflag:s2] =	dma.local @!p0 [hbm:s0], s1  }
0x177: {  	s0 =	simm.s32 @!p0 $0xD  }
0x178: {  	_ =	swait.ge @!p0 [sflag:s0], s1  }
0x179: {  	s1 =	ssub.s32 @!p0 $0x0, s1;
	[sflag:s0] =	ssyncset.done @!p0 $0x0  }
0x17a: {  	[sflag:s0] =	ssyncadd.s32 @!p0 s1  }
0x17b: {  	[bflag:$0x3] =	sbarrier.arrive $0xFFFF  }
0x17c: {  	_ =	shalt  }

</sc_bundles>
